<compile_context>
chip_gen: v7x
topology: tpu7x:2x2x1
jax: 0.10.2.dev20260603
libtpu: 0.0.44.dev20260713+nightly
codegen_flags: <defaults>
</compile_context>

<pallas_src>
import jax
import jax.numpy as jnp
from jax.experimental import pallas as pl
from jax.experimental.pallas import tpu as pltpu
from jax.experimental.pallas import tpu_sc as plsc

_IOU_T = 0.4
_SCORE_T = 0.3
_B = 1024
_NP = 5120
_BC = 1024
_NB = _NP // _B


def _dot01(a, b):
    return jax.lax.dot_general(
        a.astype(jnp.bfloat16), b.astype(jnp.bfloat16),
        (((1,), (0,)), ((), ())),
        preferred_element_type=jnp.float32)


def _iota(shape, dim):
    return jax.lax.broadcasted_iota(jnp.int32, shape, dim)


def _rank_kernel(s_blk_ref, s_row_ref, rank_ref):
    i = pl.program_id(0)
    s_blk = s_blk_ref[...]
    gidx_col = i * _B + _iota((_B, 1), 0)
    acc = jnp.zeros((_B, 1), jnp.float32)
    for m in range(_NB):
        s_chunk = s_row_ref[0:1, m * _B:(m + 1) * _B]
        j_row = m * _B + _iota((1, _B), 1)
        before = (s_chunk > s_blk) | ((s_chunk == s_blk) & (j_row < gidx_col))
        acc = acc + jnp.sum(before.astype(jnp.float32), axis=1, keepdims=True)
    rank_ref[...] = acc.astype(jnp.int32)


def _sc_scatter_body(pay_hbm, rank_hbm, t_hbm, rows_hbm,
                     pay_v, rank_v, out_v):
    wid = jax.lax.axis_index("s") * 2 + jax.lax.axis_index("c")
    lane = jax.lax.iota(jnp.int32, 16)
    ngroups = _NP // 16

    @pl.when(wid == 0)
    def _rows():
        pltpu.sync_copy(pay_hbm, pay_v)
        pltpu.sync_copy(rank_hbm, rank_v)

        def body(g, carry):
            base = g * 16
            idx = rank_v[pl.ds(base, 16)]
            src = (base + lane) * 8
            for c in range(5):
                vals = plsc.load_gather(pay_v, [src + c])
                plsc.store_scatter(out_v, [idx * 8 + c], vals)
            return carry

        jax.lax.fori_loop(0, ngroups, body, 0)
        pltpu.sync_copy(out_v, rows_hbm)

    @pl.when(wid == 1)
    def _t():
        pltpu.sync_copy(pay_hbm, pay_v)
        pltpu.sync_copy(rank_hbm, rank_v)

        def body(g, carry):
            base = g * 16
            idx = rank_v[pl.ds(base, 16)]
            src = (base + lane) * 8
            for c in range(4):
                vals = plsc.load_gather(pay_v, [src + c])
                plsc.store_scatter(out_v, [c * _NP + idx], vals)
            return carry

        jax.lax.fori_loop(0, ngroups, body, 0)
        pltpu.sync_copy(out_v, t_hbm)


def _iou_gt(x1c, y1c, x2c, y2c, ac, x1r, y1r, x2r, y2r, ar):
    ix1 = jnp.maximum(x1c, x1r)
    iy1 = jnp.maximum(y1c, y1r)
    ix2 = jnp.minimum(x2c, x2r)
    iy2 = jnp.minimum(y2c, y2r)
    iw = jnp.clip(ix2 - ix1, 0.0)
    ih = jnp.clip(iy2 - iy1, 0.0)
    inter = iw * ih
    union = ac + ar - inter
    iou = inter / jnp.maximum(union, 1e-9)
    return iou > _IOU_T


def _coords_col(v):
    x1 = v[:, 0:1]
    y1 = v[:, 1:2]
    w = v[:, 2:3]
    h = v[:, 3:4]
    return x1, y1, x1 + w, y1 + h, w * h


def _coords_row(vt, lo, hi):
    x1 = vt[0:1, lo:hi]
    y1 = vt[1:2, lo:hi]
    w = vt[2:3, lo:hi]
    h = vt[3:4, lo:hi]
    return x1, y1, x1 + w, y1 + h, w * h


def _nms_kernel(bt_full_ref, bt_blk_ref, br_blk_ref, v_full_ref,
                keep_ref, boxes_ref, m2_ref):
    k = pl.program_id(0)

    @pl.when(k == 0)
    def _init():
        keep_ref[...] = jnp.zeros_like(keep_ref)
        boxes_ref[...] = jnp.zeros_like(boxes_ref)

    br = br_blk_ref[...]
    x1c, y1c, x2c, y2c, ac = _coords_col(br)
    sc = br[:, 4:5]
    keep0 = (sc > _SCORE_T).astype(jnp.float32)

    def _chunk(m, susp):
        lo = m * _BC
        x1r = bt_full_ref[0:1, pl.ds(lo, _BC)]
        y1r = bt_full_ref[1:2, pl.ds(lo, _BC)]
        wr = bt_full_ref[2:3, pl.ds(lo, _BC)]
        hr = bt_full_ref[3:4, pl.ds(lo, _BC)]
        mk = _iou_gt(x1c, y1c, x2c, y2c, ac,
                     x1r, y1r, x1r + wr, y1r + hr, wr * hr)
        keep_chunk = keep_ref[pl.ds(lo, _BC), 0:1]
        return susp + _dot01(mk, keep_chunk)

    susp = jax.lax.fori_loop(0, k * (_B // _BC), _chunk,
                             jnp.zeros((_B, 1), jnp.float32))

    keep_in = keep0 * (susp < 0.5).astype(jnp.float32)

    bt = bt_blk_ref[...]
    x1r, y1r, x2r, y2r, ar = _coords_row(bt, 0, _B)
    strict = _iota((_B, _B), 1) < _iota((_B, _B), 0)
    m2_ref[...] = (_iou_gt(x1c, y1c, x2c, y2c, ac,
                           x1r, y1r, x2r, y2r, ar)
                   & strict).astype(jnp.bfloat16)

    def _apply(x):
        susp2 = jax.lax.dot_general(
            m2_ref[...], x.astype(jnp.bfloat16), (((1,), (0,)), ((), ())),
            preferred_element_type=jnp.float32)
        return keep_in * (susp2 < 0.5).astype(jnp.float32)

    def _cond(c):
        x, fx = c
        return jnp.max(jnp.abs(x - fx)) > 0.0

    def _body(c):
        _, fx = c
        a = _apply(fx)
        return a, _apply(a)

    x0 = keep_in
    _, keep_fin = jax.lax.while_loop(_cond, _body, (x0, _apply(x0)))

    keep_ref[pl.ds(k * _B, _B), :] = keep_fin

    @pl.when(k == _NB - 1)
    def _final():
        boxes_ref[...] = v_full_ref[:, 0:4] * keep_ref[...]


def kernel(boxes, scores):
    n = boxes.shape[0]
    pad = _NP - n
    b = jnp.pad(boxes, ((0, pad), (0, 0)))
    s = jnp.pad(scores, (0, pad), constant_values=-1.0)
    v = jnp.concatenate(
        [b, s[:, None], jnp.zeros((_NP, 3), jnp.float32)], axis=1)
    s_col = s[:, None]
    s_row = s[None, :]

    rank = pl.pallas_call(
        _rank_kernel,
        grid=(_NB,),
        in_specs=[
            pl.BlockSpec((_B, 1), lambda i: (i, 0)),
            pl.BlockSpec((1, _NP), lambda i: (0, 0)),
        ],
        out_specs=pl.BlockSpec((_B, 1), lambda i: (i, 0)),
        out_shape=jax.ShapeDtypeStruct((_NP, 1), jnp.int32),
    )(s_col, s_row)

    sc_scatter = pl.kernel(
        _sc_scatter_body,
        out_type=[
            jax.ShapeDtypeStruct((8 * _NP,), jnp.float32),
            jax.ShapeDtypeStruct((_NP * 8,), jnp.float32),
        ],
        mesh=plsc.VectorSubcoreMesh(core_axis_name="c", subcore_axis_name="s",
                                    num_cores=2, num_subcores=16),
        scratch_types=[
            pltpu.VMEM((_NP * 8,), jnp.float32),
            pltpu.VMEM((_NP,), jnp.int32),
            pltpu.VMEM((_NP * 8,), jnp.float32),
        ],
        compiler_params=pltpu.CompilerParams(needs_layout_passes=False),
    )
    t_flat, rows_flat = sc_scatter(v.reshape(-1), rank.reshape(-1))
    st = t_flat.reshape(8, _NP)
    sr = rows_flat.reshape(_NP, 8)

    keepf, ob = pl.pallas_call(
        _nms_kernel,
        grid=(_NB,),
        in_specs=[
            pl.BlockSpec((8, _NP), lambda k: (0, 0)),
            pl.BlockSpec((8, _B), lambda k: (0, k)),
            pl.BlockSpec((_B, 8), lambda k: (k, 0)),
            pl.BlockSpec((_NP, 8), lambda k: (0, 0)),
        ],
        out_specs=[
            pl.BlockSpec((_NP, 1), lambda k: (0, 0)),
            pl.BlockSpec((_NP, 4), lambda k: (0, 0)),
        ],
        out_shape=[
            jax.ShapeDtypeStruct((_NP, 1), jnp.float32),
            jax.ShapeDtypeStruct((_NP, 4), jnp.float32),
        ],
        scratch_shapes=[
            pltpu.VMEM((_B, _B), jnp.bfloat16),
        ],
    )(st, st, sr, sr)

    out_boxes = ob[:n]
    keep = keepf[:n, 0].astype(jnp.bool_)
    return out_boxes, keep

# --- scband reference (transcript-rebuilt; emitter-appended) ---
"""Pipeline reference for scband-detect-90374701842934 (READ-ONLY COPY).

The authoritative reference and input builder live on the scoring server;
editing this copy changes nothing except your own understanding.
"""

import jax, jax.numpy as jnp
import numpy as np

IOU_THRESH = 0.4
SCORE_THRESH = 0.3
N = 5000


def setup_inputs(seed: int = 0) -> dict:
    key = jax.random.key(seed)
    k1, k2, k3 = jax.random.split(key, 3)
    # boxes in [x, y, w, h] format (top-left corner + size), like cv2.dnn.NMSBoxes expects
    xy = jax.random.uniform(k1, (N, 2), dtype=jnp.float32) * 1000.0
    wh = jax.random.uniform(k2, (N, 2), dtype=jnp.float32) * 120.0 + 4.0
    boxes = jnp.concatenate([xy, wh], axis=1)
    scores = jax.random.uniform(k3, (N,), dtype=jnp.float32)
    return {"boxes": boxes, "scores": scores}


def _iou_matrix(boxes):
    x1 = boxes[:, 0]
    y1 = boxes[:, 1]
    w = boxes[:, 2]
    h = boxes[:, 3]
    x2 = x1 + w
    y2 = y1 + h
    area = w * h
    ix1 = jnp.maximum(x1[:, None], x1[None, :])
    iy1 = jnp.maximum(y1[:, None], y1[None, :])
    ix2 = jnp.minimum(x2[:, None], x2[None, :])
    iy2 = jnp.minimum(y2[:, None], y2[None, :])
    iw = jnp.clip(ix2 - ix1, 0.0)
    ih = jnp.clip(iy2 - iy1, 0.0)
    inter = iw * ih
    union = area[:, None] + area[None, :] - inter
    return inter / jnp.maximum(union, 1e-9)


def reference(boxes, scores):
    # Greedy NMS: score-threshold filter (0.3), sort by confidence descending,
    # suppress any box with IoU > 0.4 against an already-kept higher-scoring box.
    n = boxes.shape[0]
    order = jnp.argsort(-scores)
    b = jnp.take(boxes, order, axis=0)
    s = jnp.take(scores, order, axis=0)
    iou = _iou_matrix(b)
    keep0 = s > SCORE_THRESH
    idx = jnp.arange(n)

    def body(i, keep):
        sup = (iou[i] > IOU_THRESH) & (idx > i) & keep[i]
        return keep & (~sup)

    keep = jax.lax.fori_loop(0, n, body, keep0)
    # emulate returning the surviving boxes: zero out suppressed rows (static shape for jit)
    out_boxes = b * keep[:, None].astype(b.dtype)
    return out_boxes, keep

if __name__ == "__main__":
    import jax
    _d = setup_inputs()
    print(jax.jit(kernel)(*tuple(_d.values())))

</pallas_src>

<mosaic_0001>
#map = affine_map<(d0, d1) -> (0)>
module attributes {stable_mosaic.version = 14 : i64} {
  func.func @_sc_scatter_body(%arg0: i32, %arg1: i32, %arg2: memref<40960xf32, #tpu.memory_space<hbm>>, %arg3: memref<5120xi32, #tpu.memory_space<hbm>>, %arg4: memref<40960xf32, #tpu.memory_space<hbm>>, %arg5: memref<40960xf32, #tpu.memory_space<hbm>>, %arg6: memref<40960xf32, #tpu.memory_space<vmem>>, %arg7: memref<5120xi32, #tpu.memory_space<vmem>>, %arg8: memref<40960xf32, #tpu.memory_space<vmem>>) attributes {dimension_semantics = [#tpu.dimension_semantics<core_parallel>, #tpu.dimension_semantics<subcore_parallel>], iteration_bounds = array<i64: 2, 16>, scalar_prefetch = 0 : i64, scratch_operands = 3 : i64, tpu.core_type = #tpu.core_type<sc_vector_subcore>, window_params = [{transform_indices = #map}, {transform_indices = #map}, {transform_indices = #map}, {transform_indices = #map}]} {
    %mul3A = arith.constant 2 : i32
    %mul3A_0 = arith.muli %arg1, %mul3A : i32
    %add3A = arith.addi %mul3A_0, %arg0 : i32
    %iota3A = tpu.iota {dimensions = array<i32: 0>} : vector<16xi32>
    %eq3A = arith.constant 0 : i32
    %eq3A_1 = arith.cmpi eq, %add3A, %eq3A : i32
    %convert_element_type3A = arith.extui %eq3A_1 : i1 to i32
    %cond3A = arith.constant 0 : i32
    %cond3A_2 = arith.cmpi ne, %convert_element_type3A, %cond3A : i32
    scf.if %cond3A_2 {
      "tpu.region"() ({
        %run_scoped3A = tpu.sem_alloc : memref<!tpu.dma_semaphore, #tpu.memory_space<semaphore_mem>>
        tpu.enqueue_dma source(%arg2 : memref<40960xf32, #tpu.memory_space<hbm>>) target(%arg6 : memref<40960xf32, #tpu.memory_space<vmem>>) target_semaphore(%run_scoped3A : memref<!tpu.dma_semaphore, #tpu.memory_space<semaphore_mem>>)
        tpu.wait_dma2 semaphore(%run_scoped3A : memref<!tpu.dma_semaphore, #tpu.memory_space<semaphore_mem>>) src(%arg2 : memref<40960xf32, #tpu.memory_space<hbm>>) dst(%arg6 : memref<40960xf32, #tpu.memory_space<vmem>>)
        tpu.yield
      }) : () -> ()
      "tpu.region"() ({
        %run_scoped3A = tpu.sem_alloc : memref<!tpu.dma_semaphore, #tpu.memory_space<semaphore_mem>>
        tpu.enqueue_dma source(%arg3 : memref<5120xi32, #tpu.memory_space<hbm>>) target(%arg7 : memref<5120xi32, #tpu.memory_space<vmem>>) target_semaphore(%run_scoped3A : memref<!tpu.dma_semaphore, #tpu.memory_space<semaphore_mem>>)
        tpu.wait_dma2 semaphore(%run_scoped3A : memref<!tpu.dma_semaphore, #tpu.memory_space<semaphore_mem>>) src(%arg3 : memref<5120xi32, #tpu.memory_space<hbm>>) dst(%arg7 : memref<5120xi32, #tpu.memory_space<vmem>>)
        tpu.yield
      }) : () -> ()
      %scan3A = arith.constant 0 : i32
      %scan3A_8 = arith.constant 0 : i32
      %scan3A_9 = arith.constant 320 : i32
      %scan3A_10 = arith.addi %scan3A_8, %scan3A_9 : i32
      %scan3A_11 = arith.constant 1 : i32
      scf.for %scan3A_13 = %scan3A_8 to %scan3A_10 step %scan3A_11  : i32 {
        %mul3A_14 = arith.constant 16 : i32
        %mul3A_15 = arith.muli %scan3A_13, %mul3A_14 : i32
        %get3A = arith.index_cast %mul3A_15 : i32 to index
        %get3A_16 = tpu.vector_load %arg7[%get3A] {strides = array<i32>} : memref<5120xi32, #tpu.memory_space<vmem>>, vector<16xi32>,
        %add3A_17 = vector.broadcast %mul3A_15 : i32 to vector<16xi32>
        %add3A_18 = arith.addi %add3A_17, %iota3A : vector<16xi32>
        %mul3A_19 = arith.constant 8 : i32
        %mul3A_20 = vector.broadcast %mul3A_19 : i32 to vector<16xi32>
        %mul3A_21 = arith.muli %add3A_18, %mul3A_20 : vector<16xi32>
        %add3A_22 = arith.constant 0 : i32
        %add3A_23 = vector.broadcast %add3A_22 : i32 to vector<16xi32>
        %add3A_24 = arith.addi %mul3A_21, %add3A_23 : vector<16xi32>
        %gather3A = tpu.vector_load_idx %arg6[%add3A_24] : memref<40960xf32, #tpu.memory_space<vmem>>[vector<16xi32>], vector<16xf32>,
        %mul3A_25 = arith.constant 8 : i32
        %mul3A_26 = vector.broadcast %mul3A_25 : i32 to vector<16xi32>
        %mul3A_27 = arith.muli %get3A_16, %mul3A_26 : vector<16xi32>
        %add3A_28 = arith.constant 0 : i32
        %add3A_29 = vector.broadcast %add3A_28 : i32 to vector<16xi32>
        %add3A_30 = arith.addi %mul3A_27, %add3A_29 : vector<16xi32>
        tpu.vector_store_idx %arg8[%add3A_30], %gather3A : memref<40960xf32, #tpu.memory_space<vmem>>[vector<16xi32>], vector<16xf32>,
        %add3A_31 = arith.constant 1 : i32
        %add3A_32 = vector.broadcast %add3A_31 : i32 to vector<16xi32>
        %add3A_33 = arith.addi %mul3A_21, %add3A_32 : vector<16xi32>
        %gather3A_34 = tpu.vector_load_idx %arg6[%add3A_33] : memref<40960xf32, #tpu.memory_space<vmem>>[vector<16xi32>], vector<16xf32>,
        %mul3A_35 = arith.constant 8 : i32
        %mul3A_36 = vector.broadcast %mul3A_35 : i32 to vector<16xi32>
        %mul3A_37 = arith.muli %get3A_16, %mul3A_36 : vector<16xi32>
        %add3A_38 = arith.constant 1 : i32
        %add3A_39 = vector.broadcast %add3A_38 : i32 to vector<16xi32>
        %add3A_40 = arith.addi %mul3A_37, %add3A_39 : vector<16xi32>
        tpu.vector_store_idx %arg8[%add3A_40], %gather3A_34 : memref<40960xf32, #tpu.memory_space<vmem>>[vector<16xi32>], vector<16xf32>,
        %add3A_41 = arith.constant 2 : i32
        %add3A_42 = vector.broadcast %add3A_41 : i32 to vector<16xi32>
        %add3A_43 = arith.addi %mul3A_21, %add3A_42 : vector<16xi32>
        %gather3A_44 = tpu.vector_load_idx %arg6[%add3A_43] : memref<40960xf32, #tpu.memory_space<vmem>>[vector<16xi32>], vector<16xf32>,
        %mul3A_45 = arith.constant 8 : i32
        %mul3A_46 = vector.broadcast %mul3A_45 : i32 to vector<16xi32>
        %mul3A_47 = arith.muli %get3A_16, %mul3A_46 : vector<16xi32>
        %add3A_48 = arith.constant 2 : i32
        %add3A_49 = vector.broadcast %add3A_48 : i32 to vector<16xi32>
        %add3A_50 = arith.addi %mul3A_47, %add3A_49 : vector<16xi32>
        tpu.vector_store_idx %arg8[%add3A_50], %gather3A_44 : memref<40960xf32, #tpu.memory_space<vmem>>[vector<16xi32>], vector<16xf32>,
        %add3A_51 = arith.constant 3 : i32
        %add3A_52 = vector.broadcast %add3A_51 : i32 to vector<16xi32>
        %add3A_53 = arith.addi %mul3A_21, %add3A_52 : vector<16xi32>
        %gather3A_54 = tpu.vector_load_idx %arg6[%add3A_53] : memref<40960xf32, #tpu.memory_space<vmem>>[vector<16xi32>], vector<16xf32>,
        %mul3A_55 = arith.constant 8 : i32
        %mul3A_56 = vector.broadcast %mul3A_55 : i32 to vector<16xi32>
        %mul3A_57 = arith.muli %get3A_16, %mul3A_56 : vector<16xi32>
        %add3A_58 = arith.constant 3 : i32
        %add3A_59 = vector.broadcast %add3A_58 : i32 to vector<16xi32>
        %add3A_60 = arith.addi %mul3A_57, %add3A_59 : vector<16xi32>
        tpu.vector_store_idx %arg8[%add3A_60], %gather3A_54 : memref<40960xf32, #tpu.memory_space<vmem>>[vector<16xi32>], vector<16xf32>,
        %add3A_61 = arith.constant 4 : i32
        %add3A_62 = vector.broadcast %add3A_61 : i32 to vector<16xi32>
        %add3A_63 = arith.addi %mul3A_21, %add3A_62 : vector<16xi32>
        %gather3A_64 = tpu.vector_load_idx %arg6[%add3A_63] : memref<40960xf32, #tpu.memory_space<vmem>>[vector<16xi32>], vector<16xf32>,
        %mul3A_65 = arith.constant 8 : i32
        %mul3A_66 = vector.broadcast %mul3A_65 : i32 to vector<16xi32>
        %mul3A_67 = arith.muli %get3A_16, %mul3A_66 : vector<16xi32>
        %add3A_68 = arith.constant 4 : i32
        %add3A_69 = vector.broadcast %add3A_68 : i32 to vector<16xi32>
        %add3A_70 = arith.addi %mul3A_67, %add3A_69 : vector<16xi32>
        tpu.vector_store_idx %arg8[%add3A_70], %gather3A_64 : memref<40960xf32, #tpu.memory_space<vmem>>[vector<16xi32>], vector<16xf32>,
      }
      %scan3A_12 = arith.constant 320 : i32
      "tpu.region"() ({
        %run_scoped3A = tpu.sem_alloc : memref<!tpu.dma_semaphore, #tpu.memory_space<semaphore_mem>>
        tpu.enqueue_dma source(%arg8 : memref<40960xf32, #tpu.memory_space<vmem>>) target(%arg5 : memref<40960xf32, #tpu.memory_space<hbm>>) target_semaphore(%run_scoped3A : memref<!tpu.dma_semaphore, #tpu.memory_space<semaphore_mem>>)
        tpu.wait_dma2 semaphore(%run_scoped3A : memref<!tpu.dma_semaphore, #tpu.memory_space<semaphore_mem>>) src(%arg8 : memref<40960xf32, #tpu.memory_space<vmem>>) dst(%arg5 : memref<40960xf32, #tpu.memory_space<hbm>>)
        tpu.yield
      }) : () -> ()
    } else {
    }
    %eq3A_3 = arith.constant 1 : i32
    %eq3A_4 = arith.cmpi eq, %add3A, %eq3A_3 : i32
    %convert_element_type3A_5 = arith.extui %eq3A_4 : i1 to i32
    %cond3A_6 = arith.constant 0 : i32
    %cond3A_7 = arith.cmpi ne, %convert_element_type3A_5, %cond3A_6 : i32
    scf.if %cond3A_7 {
      "tpu.region"() ({
        %run_scoped3A = tpu.sem_alloc : memref<!tpu.dma_semaphore, #tpu.memory_space<semaphore_mem>>
        tpu.enqueue_dma source(%arg2 : memref<40960xf32, #tpu.memory_space<hbm>>) target(%arg6 : memref<40960xf32, #tpu.memory_space<vmem>>) target_semaphore(%run_scoped3A : memref<!tpu.dma_semaphore, #tpu.memory_space<semaphore_mem>>)
        tpu.wait_dma2 semaphore(%run_scoped3A : memref<!tpu.dma_semaphore, #tpu.memory_space<semaphore_mem>>) src(%arg2 : memref<40960xf32, #tpu.memory_space<hbm>>) dst(%arg6 : memref<40960xf32, #tpu.memory_space<vmem>>)
        tpu.yield
      }) : () -> ()
      "tpu.region"() ({
        %run_scoped3A = tpu.sem_alloc : memref<!tpu.dma_semaphore, #tpu.memory_space<semaphore_mem>>
        tpu.enqueue_dma source(%arg3 : memref<5120xi32, #tpu.memory_space<hbm>>) target(%arg7 : memref<5120xi32, #tpu.memory_space<vmem>>) target_semaphore(%run_scoped3A : memref<!tpu.dma_semaphore, #tpu.memory_space<semaphore_mem>>)
        tpu.wait_dma2 semaphore(%run_scoped3A : memref<!tpu.dma_semaphore, #tpu.memory_space<semaphore_mem>>) src(%arg3 : memref<5120xi32, #tpu.memory_space<hbm>>) dst(%arg7 : memref<5120xi32, #tpu.memory_space<vmem>>)
        tpu.yield
      }) : () -> ()
      %scan3A = arith.constant 0 : i32
      %scan3A_8 = arith.constant 0 : i32
      %scan3A_9 = arith.constant 320 : i32
      %scan3A_10 = arith.addi %scan3A_8, %scan3A_9 : i32
      %scan3A_11 = arith.constant 1 : i32
      scf.for %scan3A_13 = %scan3A_8 to %scan3A_10 step %scan3A_11  : i32 {
        %mul3A_14 = arith.constant 16 : i32
        %mul3A_15 = arith.muli %scan3A_13, %mul3A_14 : i32
        %get3A = arith.index_cast %mul3A_15 : i32 to index
        %get3A_16 = tpu.vector_load %arg7[%get3A] {strides = array<i32>} : memref<5120xi32, #tpu.memory_space<vmem>>, vector<16xi32>,
        %add3A_17 = vector.broadcast %mul3A_15 : i32 to vector<16xi32>
        %add3A_18 = arith.addi %add3A_17, %iota3A : vector<16xi32>
        %mul3A_19 = arith.constant 8 : i32
        %mul3A_20 = vector.broadcast %mul3A_19 : i32 to vector<16xi32>
        %mul3A_21 = arith.muli %add3A_18, %mul3A_20 : vector<16xi32>
        %add3A_22 = arith.constant 0 : i32
        %add3A_23 = vector.broadcast %add3A_22 : i32 to vector<16xi32>
        %add3A_24 = arith.addi %mul3A_21, %add3A_23 : vector<16xi32>
        %gather3A = tpu.vector_load_idx %arg6[%add3A_24] : memref<40960xf32, #tpu.memory_space<vmem>>[vector<16xi32>], vector<16xf32>,
        %add3A_25 = arith.constant 0 : i32
        %add3A_26 = vector.broadcast %add3A_25 : i32 to vector<16xi32>
        %add3A_27 = arith.addi %add3A_26, %get3A_16 : vector<16xi32>
        tpu.vector_store_idx %arg8[%add3A_27], %gather3A : memref<40960xf32, #tpu.memory_space<vmem>>[vector<16xi32>], vector<16xf32>,
        %add3A_28 = arith.constant 1 : i32
        %add3A_29 = vector.broadcast %add3A_28 : i32 to vector<16xi32>
        %add3A_30 = arith.addi %mul3A_21, %add3A_29 : vector<16xi32>
        %gather3A_31 = tpu.vector_load_idx %arg6[%add3A_30] : memref<40960xf32, #tpu.memory_space<vmem>>[vector<16xi32>], vector<16xf32>,
        %add3A_32 = arith.constant 5120 : i32
        %add3A_33 = vector.broadcast %add3A_32 : i32 to vector<16xi32>
        %add3A_34 = arith.addi %add3A_33, %get3A_16 : vector<16xi32>
        tpu.vector_store_idx %arg8[%add3A_34], %gather3A_31 : memref<40960xf32, #tpu.memory_space<vmem>>[vector<16xi32>], vector<16xf32>,
        %add3A_35 = arith.constant 2 : i32
        %add3A_36 = vector.broadcast %add3A_35 : i32 to vector<16xi32>
        %add3A_37 = arith.addi %mul3A_21, %add3A_36 : vector<16xi32>
        %gather3A_38 = tpu.vector_load_idx %arg6[%add3A_37] : memref<40960xf32, #tpu.memory_space<vmem>>[vector<16xi32>], vector<16xf32>,
        %add3A_39 = arith.constant 10240 : i32
        %add3A_40 = vector.broadcast %add3A_39 : i32 to vector<16xi32>
        %add3A_41 = arith.addi %add3A_40, %get3A_16 : vector<16xi32>
        tpu.vector_store_idx %arg8[%add3A_41], %gather3A_38 : memref<40960xf32, #tpu.memory_space<vmem>>[vector<16xi32>], vector<16xf32>,
        %add3A_42 = arith.constant 3 : i32
        %add3A_43 = vector.broadcast %add3A_42 : i32 to vector<16xi32>
        %add3A_44 = arith.addi %mul3A_21, %add3A_43 : vector<16xi32>
        %gather3A_45 = tpu.vector_load_idx %arg6[%add3A_44] : memref<40960xf32, #tpu.memory_space<vmem>>[vector<16xi32>], vector<16xf32>,
        %add3A_46 = arith.constant 15360 : i32
        %add3A_47 = vector.broadcast %add3A_46 : i32 to vector<16xi32>
        %add3A_48 = arith.addi %add3A_47, %get3A_16 : vector<16xi32>
        tpu.vector_store_idx %arg8[%add3A_48], %gather3A_45 : memref<40960xf32, #tpu.memory_space<vmem>>[vector<16xi32>], vector<16xf32>,
      }
      %scan3A_12 = arith.constant 320 : i32
      "tpu.region"() ({
        %run_scoped3A = tpu.sem_alloc : memref<!tpu.dma_semaphore, #tpu.memory_space<semaphore_mem>>
        tpu.enqueue_dma source(%arg8 : memref<40960xf32, #tpu.memory_space<vmem>>) target(%arg4 : memref<40960xf32, #tpu.memory_space<hbm>>) target_semaphore(%run_scoped3A : memref<!tpu.dma_semaphore, #tpu.memory_space<semaphore_mem>>)
        tpu.wait_dma2 semaphore(%run_scoped3A : memref<!tpu.dma_semaphore, #tpu.memory_space<semaphore_mem>>) src(%arg8 : memref<40960xf32, #tpu.memory_space<vmem>>) dst(%arg4 : memref<40960xf32, #tpu.memory_space<hbm>>)
        tpu.yield
      }) : () -> ()
    } else {
    }
    return
  }
}

module attributes {stable_mosaic.version = 14 : i64} {
  func.func @_rank_kernel(%arg0: i32, %arg1: memref<1024x1xf32, #tpu.memory_space<vmem>>, %arg2: memref<1x5120xf32, #tpu.memory_space<vmem>>, %arg3: memref<1024x1xi32, #tpu.memory_space<vmem>>) attributes {dimension_semantics = [#tpu.dimension_semantics<arbitrary>], iteration_bounds = array<i64: 5>, scalar_prefetch = 0 : i64, scratch_operands = 0 : i64, tpu.core_type = #tpu.core_type<tc>, window_params = [{transform_indices = @transform_0, window_bounds = array<i64: 1024, 1>}, {pipeline_mode = #tpu.pipeline_mode<synchronous>, transform_indices = @transform_1, window_bounds = array<i64: 1, 5120>}, {transform_indices = @transform_2, window_bounds = array<i64: 1024, 1>}]} {
    %get3A = arith.constant 0 : index
    %get3A_0 = arith.constant 0 : index
    %get3A_1 = vector.load %arg1[%get3A, %get3A_0] : memref<1024x1xf32, #tpu.memory_space<vmem>>, vector<1024x1xf32>
    %mul3A = arith.constant 1024 : i32
    %mul3A_2 = arith.muli %arg0, %mul3A : i32
    %iota3A = tpu.iota {dimensions = array<i32: 0>} : vector<1024x1xi32>
    %add3A = vector.broadcast %mul3A_2 : i32 to vector<1024x1xi32>
    %add3A_3 = arith.addi %add3A, %iota3A : vector<1024x1xi32>
    %broadcast_in_dim3A = arith.constant 0.000000e+00 : f32
    %broadcast_in_dim3A_4 = vector.broadcast %broadcast_in_dim3A : f32 to vector<1024x1xf32>
    %get3A_5 = arith.constant 0 : index
    %get3A_6 = arith.constant 0 : index
    %get3A_7 = vector.load %arg2[%get3A_5, %get3A_6] : memref<1x5120xf32, #tpu.memory_space<vmem>>, vector<1x1024xf32>
    %iota3A_8 = tpu.iota {dimensions = array<i32: 1>} : vector<1x1024xi32>
    %add3A_9 = arith.constant 0 : i32
    %add3A_10 = vector.broadcast %add3A_9 : i32 to vector<1x1024xi32>
    %add3A_11 = arith.addi %add3A_10, %iota3A_8 : vector<1x1024xi32>
    %gt3A = vector.broadcast %get3A_7 : vector<1x1024xf32> to vector<1024x1024xf32>
    %gt3A_12 = vector.broadcast %get3A_1 : vector<1024x1xf32> to vector<1024x1024xf32>
    %gt3A_13 = arith.cmpf ogt, %gt3A, %gt3A_12 : vector<1024x1024xf32>
    %eq3A = vector.broadcast %get3A_7 : vector<1x1024xf32> to vector<1024x1024xf32>
    %eq3A_14 = vector.broadcast %get3A_1 : vector<1024x1xf32> to vector<1024x1024xf32>
    %eq3A_15 = arith.cmpf oeq, %eq3A, %eq3A_14 : vector<1024x1024xf32>
    %lt3A = vector.broadcast %add3A_11 : vector<1x1024xi32> to vector<1024x1024xi32>
    %lt3A_16 = vector.broadcast %add3A_3 : vector<1024x1xi32> to vector<1024x1024xi32>
    %lt3A_17 = arith.cmpi slt, %lt3A, %lt3A_16 : vector<1024x1024xi32>
    %and3A = arith.andi %eq3A_15, %lt3A_17 : vector<1024x1024xi1>
    %or3A = arith.ori %gt3A_13, %and3A : vector<1024x1024xi1>
    %convert_element_type3A = arith.extui %or3A : vector<1024x1024xi1> to vector<1024x1024xi32>
    %convert_element_type3A_18 = arith.sitofp %convert_element_type3A : vector<1024x1024xi32> to vector<1024x1024xf32>
    %reduce_sum3A = arith.constant dense<0.000000e+00> : vector<1024xf32>
    %reduce_sum3A_19 = vector.multi_reduction <add>, %convert_element_type3A_18, %reduce_sum3A [1] : vector<1024x1024xf32> to vector<1024xf32>
    %broadcast_in_dim3A_20 = vector.shape_cast %reduce_sum3A_19 : vector<1024xf32> to vector<1024x1xf32>
    %add3A_21 = arith.addf %broadcast_in_dim3A_4, %broadcast_in_dim3A_20 : vector<1024x1xf32>
    %get3A_22 = arith.constant 0 : index
    %get3A_23 = arith.constant 1024 : index
    %get3A_24 = vector.load %arg2[%get3A_22, %get3A_23] : memref<1x5120xf32, #tpu.memory_space<vmem>>, vector<1x1024xf32>
    %iota3A_25 = tpu.iota {dimensions = array<i32: 1>} : vector<1x1024xi32>
    %add3A_26 = arith.constant 1024 : i32
    %add3A_27 = vector.broadcast %add3A_26 : i32 to vector<1x1024xi32>
    %add3A_28 = arith.addi %add3A_27, %iota3A_25 : vector<1x1024xi32>
    %gt3A_29 = vector.broadcast %get3A_24 : vector<1x1024xf32> to vector<1024x1024xf32>
    %gt3A_30 = vector.broadcast %get3A_1 : vector<1024x1xf32> to vector<1024x1024xf32>
    %gt3A_31 = arith.cmpf ogt, %gt3A_29, %gt3A_30 : vector<1024x1024xf32>
    %eq3A_32 = vector.broadcast %get3A_24 : vector<1x1024xf32> to vector<1024x1024xf32>
    %eq3A_33 = vector.broadcast %get3A_1 : vector<1024x1xf32> to vector<1024x1024xf32>
    %eq3A_34 = arith.cmpf oeq, %eq3A_32, %eq3A_33 : vector<1024x1024xf32>
    %lt3A_35 = vector.broadcast %add3A_28 : vector<1x1024xi32> to vector<1024x1024xi32>
    %lt3A_36 = vector.broadcast %add3A_3 : vector<1024x1xi32> to vector<1024x1024xi32>
    %lt3A_37 = arith.cmpi slt, %lt3A_35, %lt3A_36 : vector<1024x1024xi32>
    %and3A_38 = arith.andi %eq3A_34, %lt3A_37 : vector<1024x1024xi1>
    %or3A_39 = arith.ori %gt3A_31, %and3A_38 : vector<1024x1024xi1>
    %convert_element_type3A_40 = arith.extui %or3A_39 : vector<1024x1024xi1> to vector<1024x1024xi32>
    %convert_element_type3A_41 = arith.sitofp %convert_element_type3A_40 : vector<1024x1024xi32> to vector<1024x1024xf32>
    %reduce_sum3A_42 = arith.constant dense<0.000000e+00> : vector<1024xf32>
    %reduce_sum3A_43 = vector.multi_reduction <add>, %convert_element_type3A_41, %reduce_sum3A_42 [1] : vector<1024x1024xf32> to vector<1024xf32>
    %broadcast_in_dim3A_44 = vector.shape_cast %reduce_sum3A_43 : vector<1024xf32> to vector<1024x1xf32>
    %add3A_45 = arith.addf %add3A_21, %broadcast_in_dim3A_44 : vector<1024x1xf32>
    %get3A_46 = arith.constant 0 : index
    %get3A_47 = arith.constant 2048 : index
    %get3A_48 = vector.load %arg2[%get3A_46, %get3A_47] : memref<1x5120xf32, #tpu.memory_space<vmem>>, vector<1x1024xf32>
    %iota3A_49 = tpu.iota {dimensions = array<i32: 1>} : vector<1x1024xi32>
    %add3A_50 = arith.constant 2048 : i32
    %add3A_51 = vector.broadcast %add3A_50 : i32 to vector<1x1024xi32>
    %add3A_52 = arith.addi %add3A_51, %iota3A_49 : vector<1x1024xi32>
    %gt3A_53 = vector.broadcast %get3A_48 : vector<1x1024xf32> to vector<1024x1024xf32>
    %gt3A_54 = vector.broadcast %get3A_1 : vector<1024x1xf32> to vector<1024x1024xf32>
    %gt3A_55 = arith.cmpf ogt, %gt3A_53, %gt3A_54 : vector<1024x1024xf32>
    %eq3A_56 = vector.broadcast %get3A_48 : vector<1x1024xf32> to vector<1024x1024xf32>
    %eq3A_57 = vector.broadcast %get3A_1 : vector<1024x1xf32> to vector<1024x1024xf32>
    %eq3A_58 = arith.cmpf oeq, %eq3A_56, %eq3A_57 : vector<1024x1024xf32>
    %lt3A_59 = vector.broadcast %add3A_52 : vector<1x1024xi32> to vector<1024x1024xi32>
    %lt3A_60 = vector.broadcast %add3A_3 : vector<1024x1xi32> to vector<1024x1024xi32>
    %lt3A_61 = arith.cmpi slt, %lt3A_59, %lt3A_60 : vector<1024x1024xi32>
    %and3A_62 = arith.andi %eq3A_58, %lt3A_61 : vector<1024x1024xi1>
    %or3A_63 = arith.ori %gt3A_55, %and3A_62 : vector<1024x1024xi1>
    %convert_element_type3A_64 = arith.extui %or3A_63 : vector<1024x1024xi1> to vector<1024x1024xi32>
    %convert_element_type3A_65 = arith.sitofp %convert_element_type3A_64 : vector<1024x1024xi32> to vector<1024x1024xf32>
    %reduce_sum3A_66 = arith.constant dense<0.000000e+00> : vector<1024xf32>
    %reduce_sum3A_67 = vector.multi_reduction <add>, %convert_element_type3A_65, %reduce_sum3A_66 [1] : vector<1024x1024xf32> to vector<1024xf32>
    %broadcast_in_dim3A_68 = vector.shape_cast %reduce_sum3A_67 : vector<1024xf32> to vector<1024x1xf32>
    %add3A_69 = arith.addf %add3A_45, %broadcast_in_dim3A_68 : vector<1024x1xf32>
    %get3A_70 = arith.constant 0 : index
    %get3A_71 = arith.constant 3072 : index
    %get3A_72 = vector.load %arg2[%get3A_70, %get3A_71] : memref<1x5120xf32, #tpu.memory_space<vmem>>, vector<1x1024xf32>
    %iota3A_73 = tpu.iota {dimensions = array<i32: 1>} : vector<1x1024xi32>
    %add3A_74 = arith.constant 3072 : i32
    %add3A_75 = vector.broadcast %add3A_74 : i32 to vector<1x1024xi32>
    %add3A_76 = arith.addi %add3A_75, %iota3A_73 : vector<1x1024xi32>
    %gt3A_77 = vector.broadcast %get3A_72 : vector<1x1024xf32> to vector<1024x1024xf32>
    %gt3A_78 = vector.broadcast %get3A_1 : vector<1024x1xf32> to vector<1024x1024xf32>
    %gt3A_79 = arith.cmpf ogt, %gt3A_77, %gt3A_78 : vector<1024x1024xf32>
    %eq3A_80 = vector.broadcast %get3A_72 : vector<1x1024xf32> to vector<1024x1024xf32>
    %eq3A_81 = vector.broadcast %get3A_1 : vector<1024x1xf32> to vector<1024x1024xf32>
    %eq3A_82 = arith.cmpf oeq, %eq3A_80, %eq3A_81 : vector<1024x1024xf32>
    %lt3A_83 = vector.broadcast %add3A_76 : vector<1x1024xi32> to vector<1024x1024xi32>
    %lt3A_84 = vector.broadcast %add3A_3 : vector<1024x1xi32> to vector<1024x1024xi32>
    %lt3A_85 = arith.cmpi slt, %lt3A_83, %lt3A_84 : vector<1024x1024xi32>
    %and3A_86 = arith.andi %eq3A_82, %lt3A_85 : vector<1024x1024xi1>
    %or3A_87 = arith.ori %gt3A_79, %and3A_86 : vector<1024x1024xi1>
    %convert_element_type3A_88 = arith.extui %or3A_87 : vector<1024x1024xi1> to vector<1024x1024xi32>
    %convert_element_type3A_89 = arith.sitofp %convert_element_type3A_88 : vector<1024x1024xi32> to vector<1024x1024xf32>
    %reduce_sum3A_90 = arith.constant dense<0.000000e+00> : vector<1024xf32>
    %reduce_sum3A_91 = vector.multi_reduction <add>, %convert_element_type3A_89, %reduce_sum3A_90 [1] : vector<1024x1024xf32> to vector<1024xf32>
    %broadcast_in_dim3A_92 = vector.shape_cast %reduce_sum3A_91 : vector<1024xf32> to vector<1024x1xf32>
    %add3A_93 = arith.addf %add3A_69, %broadcast_in_dim3A_92 : vector<1024x1xf32>
    %get3A_94 = arith.constant 0 : index
    %get3A_95 = arith.constant 4096 : index
    %get3A_96 = vector.load %arg2[%get3A_94, %get3A_95] : memref<1x5120xf32, #tpu.memory_space<vmem>>, vector<1x1024xf32>
    %iota3A_97 = tpu.iota {dimensions = array<i32: 1>} : vector<1x1024xi32>
    %add3A_98 = arith.constant 4096 : i32
    %add3A_99 = vector.broadcast %add3A_98 : i32 to vector<1x1024xi32>
    %add3A_100 = arith.addi %add3A_99, %iota3A_97 : vector<1x1024xi32>
    %gt3A_101 = vector.broadcast %get3A_96 : vector<1x1024xf32> to vector<1024x1024xf32>
    %gt3A_102 = vector.broadcast %get3A_1 : vector<1024x1xf32> to vector<1024x1024xf32>
    %gt3A_103 = arith.cmpf ogt, %gt3A_101, %gt3A_102 : vector<1024x1024xf32>
    %eq3A_104 = vector.broadcast %get3A_96 : vector<1x1024xf32> to vector<1024x1024xf32>
    %eq3A_105 = vector.broadcast %get3A_1 : vector<1024x1xf32> to vector<1024x1024xf32>
    %eq3A_106 = arith.cmpf oeq, %eq3A_104, %eq3A_105 : vector<1024x1024xf32>
    %lt3A_107 = vector.broadcast %add3A_100 : vector<1x1024xi32> to vector<1024x1024xi32>
    %lt3A_108 = vector.broadcast %add3A_3 : vector<1024x1xi32> to vector<1024x1024xi32>
    %lt3A_109 = arith.cmpi slt, %lt3A_107, %lt3A_108 : vector<1024x1024xi32>
    %and3A_110 = arith.andi %eq3A_106, %lt3A_109 : vector<1024x1024xi1>
    %or3A_111 = arith.ori %gt3A_103, %and3A_110 : vector<1024x1024xi1>
    %convert_element_type3A_112 = arith.extui %or3A_111 : vector<1024x1024xi1> to vector<1024x1024xi32>
    %convert_element_type3A_113 = arith.sitofp %convert_element_type3A_112 : vector<1024x1024xi32> to vector<1024x1024xf32>
    %reduce_sum3A_114 = arith.constant dense<0.000000e+00> : vector<1024xf32>
    %reduce_sum3A_115 = vector.multi_reduction <add>, %convert_element_type3A_113, %reduce_sum3A_114 [1] : vector<1024x1024xf32> to vector<1024xf32>
    %broadcast_in_dim3A_116 = vector.shape_cast %reduce_sum3A_115 : vector<1024xf32> to vector<1024x1xf32>
    %add3A_117 = arith.addf %add3A_93, %broadcast_in_dim3A_116 : vector<1024x1xf32>
    %convert_element_type3A_118 = arith.fptosi %add3A_117 : vector<1024x1xf32> to vector<1024x1xi32>
    %swap3A = arith.constant 0 : index
    %swap3A_119 = arith.constant 0 : index
    %swap3A_120 = vector.load %arg3[%swap3A, %swap3A_119] : memref<1024x1xi32, #tpu.memory_space<vmem>>, vector<1024x1xi32>
    tpu.vector_store %arg3[%swap3A, %swap3A_119], %convert_element_type3A_118 {strides = array<i32>} : memref<1024x1xi32, #tpu.memory_space<vmem>>, vector<1024x1xi32>,
    return
  }
  func.func @transform_0(%arg0: i32) -> (i32, i32) {
    %c0_i32 = arith.constant 0 : i32
    %c0_i32_0 = arith.constant 0 : i32
    return %arg0, %c0_i32 : i32, i32
  }
  func.func @transform_1(%arg0: i32) -> (i32, i32) {
    %c0_i32 = arith.constant 0 : i32
    %c0_i32_0 = arith.constant 0 : i32
    %c0_i32_1 = arith.constant 0 : i32
    return %c0_i32, %c0_i32_0 : i32, i32
  }
  func.func @transform_2(%arg0: i32) -> (i32, i32) {
    %c0_i32 = arith.constant 0 : i32
    %c0_i32_0 = arith.constant 0 : i32
    return %arg0, %c0_i32 : i32, i32
  }
}

module attributes {stable_mosaic.version = 14 : i64} {
  func.func @_nms_kernel(%arg0: i32, %arg1: memref<8x5120xf32, #tpu.memory_space<vmem>>, %arg2: memref<8x1024xf32, #tpu.memory_space<vmem>>, %arg3: memref<1024x8xf32, #tpu.memory_space<vmem>>, %arg4: memref<5120x8xf32, #tpu.memory_space<vmem>>, %arg5: memref<5120x1xf32, #tpu.memory_space<vmem>>, %arg6: memref<5120x4xf32, #tpu.memory_space<vmem>>, %arg7: memref<1024x1024xbf16, #tpu.memory_space<vmem>>) attributes {dimension_semantics = [#tpu.dimension_semantics<arbitrary>], iteration_bounds = array<i64: 5>, scalar_prefetch = 0 : i64, scratch_operands = 1 : i64, tpu.core_type = #tpu.core_type<tc>, window_params = [{pipeline_mode = #tpu.pipeline_mode<synchronous>, transform_indices = @transform_0, window_bounds = array<i64: 8, 5120>}, {transform_indices = @transform_1, window_bounds = array<i64: 8, 1024>}, {transform_indices = @transform_2, window_bounds = array<i64: 1024, 8>}, {pipeline_mode = #tpu.pipeline_mode<synchronous>, transform_indices = @transform_3, window_bounds = array<i64: 5120, 8>}, {pipeline_mode = #tpu.pipeline_mode<synchronous>, transform_indices = @transform_4, window_bounds = array<i64: 5120, 1>}, {pipeline_mode = #tpu.pipeline_mode<synchronous>, transform_indices = @transform_5, window_bounds = array<i64: 5120, 4>}]} {
    %eq3A = arith.constant 0 : i32
    %eq3A_0 = arith.cmpi eq, %arg0, %eq3A : i32
    %convert_element_type3A = arith.extui %eq3A_0 : i1 to i32
    %cond3A = arith.constant 0 : i32
    %cond3A_1 = arith.cmpi ne, %convert_element_type3A, %cond3A : i32
    scf.if %cond3A_1 {
      %broadcast_in_dim3A_97 = arith.constant 0.000000e+00 : f32
      %broadcast_in_dim3A_98 = vector.broadcast %broadcast_in_dim3A_97 : f32 to vector<5120x1xf32>
      %swap3A_99 = arith.constant 0 : index
      %swap3A_100 = arith.constant 0 : index
      %swap3A_101 = vector.load %arg5[%swap3A_99, %swap3A_100] : memref<5120x1xf32, #tpu.memory_space<vmem>>, vector<5120x1xf32>
      tpu.vector_store %arg5[%swap3A_99, %swap3A_100], %broadcast_in_dim3A_98 {strides = array<i32>} : memref<5120x1xf32, #tpu.memory_space<vmem>>, vector<5120x1xf32>,
      %broadcast_in_dim3A_102 = arith.constant 0.000000e+00 : f32
      %broadcast_in_dim3A_103 = vector.broadcast %broadcast_in_dim3A_102 : f32 to vector<5120x4xf32>
      %swap3A_104 = arith.constant 0 : index
      %swap3A_105 = arith.constant 0 : index
      %swap3A_106 = vector.load %arg6[%swap3A_104, %swap3A_105] : memref<5120x4xf32, #tpu.memory_space<vmem>>, vector<5120x4xf32>
      tpu.vector_store %arg6[%swap3A_104, %swap3A_105], %broadcast_in_dim3A_103 {strides = array<i32>} : memref<5120x4xf32, #tpu.memory_space<vmem>>, vector<5120x4xf32>,
    } else {
    }
    %get3A = arith.constant 0 : index
    %get3A_2 = arith.constant 0 : index
    %get3A_3 = vector.load %arg3[%get3A, %get3A_2] : memref<1024x8xf32, #tpu.memory_space<vmem>>, vector<1024x8xf32>
    %slice3A = vector.extract_strided_slice %get3A_3 {offsets = [0, 0], sizes = [1024, 1], strides = [1, 1]} : vector<1024x8xf32> to vector<1024x1xf32>
    %slice3A_4 = vector.extract_strided_slice %get3A_3 {offsets = [0, 1], sizes = [1024, 1], strides = [1, 1]} : vector<1024x8xf32> to vector<1024x1xf32>
    %slice3A_5 = vector.extract_strided_slice %get3A_3 {offsets = [0, 2], sizes = [1024, 1], strides = [1, 1]} : vector<1024x8xf32> to vector<1024x1xf32>
    %slice3A_6 = vector.extract_strided_slice %get3A_3 {offsets = [0, 3], sizes = [1024, 1], strides = [1, 1]} : vector<1024x8xf32> to vector<1024x1xf32>
    %add3A = arith.addf %slice3A, %slice3A_5 : vector<1024x1xf32>
    %add3A_7 = arith.addf %slice3A_4, %slice3A_6 : vector<1024x1xf32>
    %mul3A = arith.mulf %slice3A_5, %slice3A_6 : vector<1024x1xf32>
    %slice3A_8 = vector.extract_strided_slice %get3A_3 {offsets = [0, 4], sizes = [1024, 1], strides = [1, 1]} : vector<1024x8xf32> to vector<1024x1xf32>
    %gt3A = arith.constant 3.000000e-01 : f32
    %gt3A_9 = vector.broadcast %gt3A : f32 to vector<1024x1xf32>
    %gt3A_10 = arith.cmpf ogt, %slice3A_8, %gt3A_9 : vector<1024x1xf32>
    %convert_element_type3A_11 = arith.extui %gt3A_10 : vector<1024x1xi1> to vector<1024x1xi32>
    %convert_element_type3A_12 = arith.sitofp %convert_element_type3A_11 : vector<1024x1xi32> to vector<1024x1xf32>
    %mul3A_13 = arith.constant 1 : i32
    %mul3A_14 = arith.muli %arg0, %mul3A_13 : i32
    %broadcast_in_dim3A = arith.constant 0.000000e+00 : f32
    %broadcast_in_dim3A_15 = vector.broadcast %broadcast_in_dim3A : f32 to vector<1024x1xf32>
    %while3A = arith.constant 0 : i32
    %while3A_16 = arith.subi %mul3A_14, %while3A : i32
    %while3A_17 = arith.addi %while3A, %while3A_16 : i32
    %while3A_18 = arith.constant 1 : i32
    %while3A_19 = arith.divsi %while3A_16, %while3A_18 : i32
    %while3A_20 = arith.muli %while3A_19, %while3A_18 : i32
    %while3A_21 = arith.addi %while3A, %while3A_20 : i32
    %while3A_22 = arith.constant 1 : i32
    %while3A_23 = scf.for %while3A_97 = %while3A to %while3A_21 step %while3A_22 iter_args(%while3A_98 = %broadcast_in_dim3A_15) -> (vector<1024x1xf32>)  : i32 {
      %mul3A_99 = arith.constant 1024 : i32
      %mul3A_100 = arith.muli %while3A_97, %mul3A_99 : i32
      %get3A_101 = arith.constant 0 : index
      %get3A_102 = arith.index_cast %mul3A_100 : i32 to index
      %get3A_103 = vector.load %arg1[%get3A_101, %get3A_102] : memref<8x5120xf32, #tpu.memory_space<vmem>>, vector<1x1024xf32>
      %get3A_104 = arith.constant 1 : index
      %get3A_105 = arith.index_cast %mul3A_100 : i32 to index
      %get3A_106 = vector.load %arg1[%get3A_104, %get3A_105] : memref<8x5120xf32, #tpu.memory_space<vmem>>, vector<1x1024xf32>
      %get3A_107 = arith.constant 2 : index
      %get3A_108 = arith.index_cast %mul3A_100 : i32 to index
      %get3A_109 = vector.load %arg1[%get3A_107, %get3A_108] : memref<8x5120xf32, #tpu.memory_space<vmem>>, vector<1x1024xf32>
      %get3A_110 = arith.constant 3 : index
      %get3A_111 = arith.index_cast %mul3A_100 : i32 to index
      %get3A_112 = vector.load %arg1[%get3A_110, %get3A_111] : memref<8x5120xf32, #tpu.memory_space<vmem>>, vector<1x1024xf32>
      %add3A_113 = arith.addf %get3A_103, %get3A_109 : vector<1x1024xf32>
      %add3A_114 = arith.addf %get3A_106, %get3A_112 : vector<1x1024xf32>
      %mul3A_115 = arith.mulf %get3A_109, %get3A_112 : vector<1x1024xf32>
      %max3A_116 = vector.broadcast %slice3A : vector<1024x1xf32> to vector<1024x1024xf32>
      %max3A_117 = vector.broadcast %get3A_103 : vector<1x1024xf32> to vector<1024x1024xf32>
      %max3A_118 = arith.maximumf %max3A_116, %max3A_117 : vector<1024x1024xf32>
      %max3A_119 = vector.broadcast %slice3A_4 : vector<1024x1xf32> to vector<1024x1024xf32>
      %max3A_120 = vector.broadcast %get3A_106 : vector<1x1024xf32> to vector<1024x1024xf32>
      %max3A_121 = arith.maximumf %max3A_119, %max3A_120 : vector<1024x1024xf32>
      %min3A_122 = vector.broadcast %add3A : vector<1024x1xf32> to vector<1024x1024xf32>
      %min3A_123 = vector.broadcast %add3A_113 : vector<1x1024xf32> to vector<1024x1024xf32>
      %min3A_124 = arith.minimumf %min3A_122, %min3A_123 : vector<1024x1024xf32>
      %min3A_125 = vector.broadcast %add3A_7 : vector<1024x1xf32> to vector<1024x1024xf32>
      %min3A_126 = vector.broadcast %add3A_114 : vector<1x1024xf32> to vector<1024x1024xf32>
      %min3A_127 = arith.minimumf %min3A_125, %min3A_126 : vector<1024x1024xf32>
      %sub3A_128 = arith.subf %min3A_124, %max3A_118 : vector<1024x1024xf32>
      %jit3A_129 = arith.constant 0.000000e+00 : f32
      %max3A_130 = vector.broadcast %jit3A_129 : f32 to vector<1024x1024xf32>
      %max3A_131 = arith.maximumf %max3A_130, %sub3A_128 : vector<1024x1024xf32>
      %sub3A_132 = arith.subf %min3A_127, %max3A_121 : vector<1024x1024xf32>
      %jit3A_133 = arith.constant 0.000000e+00 : f32
      %max3A_134 = vector.broadcast %jit3A_133 : f32 to vector<1024x1024xf32>
      %max3A_135 = arith.maximumf %max3A_134, %sub3A_132 : vector<1024x1024xf32>
      %mul3A_136 = arith.mulf %max3A_131, %max3A_135 : vector<1024x1024xf32>
      %add3A_137 = vector.broadcast %mul3A : vector<1024x1xf32> to vector<1024x1024xf32>
      %add3A_138 = vector.broadcast %mul3A_115 : vector<1x1024xf32> to vector<1024x1024xf32>
      %add3A_139 = arith.addf %add3A_137, %add3A_138 : vector<1024x1024xf32>
      %sub3A_140 = arith.subf %add3A_139, %mul3A_136 : vector<1024x1024xf32>
      %max3A_141 = arith.constant 9.99999971E-10 : f32
      %max3A_142 = vector.broadcast %max3A_141 : f32 to vector<1024x1024xf32>
      %max3A_143 = arith.maximumf %sub3A_140, %max3A_142 : vector<1024x1024xf32>
      %div3A_144 = arith.divf %mul3A_136, %max3A_143 : vector<1024x1024xf32>
      %gt3A_145 = arith.constant 4.000000e-01 : f32
      %gt3A_146 = vector.broadcast %gt3A_145 : f32 to vector<1024x1024xf32>
      %gt3A_147 = arith.cmpf ogt, %div3A_144, %gt3A_146 : vector<1024x1024xf32>
      %get3A_148 = arith.index_cast %mul3A_100 : i32 to index
      %get3A_149 = arith.constant 0 : index
      %get3A_150 = vector.load %arg5[%get3A_148, %get3A_149] : memref<5120x1xf32, #tpu.memory_space<vmem>>, vector<1024x1xf32>
      %convert_element_type3A_151 = arith.extui %gt3A_147 : vector<1024x1024xi1> to vector<1024x1024xi32>
      %convert_element_type3A_152 = arith.sitofp %convert_element_type3A_151 : vector<1024x1024xi32> to vector<1024x1024xf32>
      %convert_element_type3A_153 = arith.truncf %convert_element_type3A_152 : vector<1024x1024xf32> to vector<1024x1024xbf16>
      %convert_element_type3A_154 = arith.truncf %get3A_150 : vector<1024x1xf32> to vector<1024x1xbf16>
      %dot_general3A_155 = arith.constant dense<0.000000e+00> : vector<1024x1xf32>
      %dot_general3A_156 = tpu.matmul %convert_element_type3A_153, %convert_element_type3A_154, %dot_general3A_155 {dimension_numbers = #tpu.dot_dimension_numbers<[1], [0], [0], [1], [0, 0, 1, 1], [], []>, transpose_lhs_hint = false} : vector<1024x1024xbf16>, vector<1024x1xbf16>, vector<1024x1xf32> -> vector<1024x1xf32>
      %add3A_157 = arith.addf %while3A_98, %dot_general3A_156 : vector<1024x1xf32>
      scf.yield %add3A_157 : vector<1024x1xf32>
    }
    %while3A_24 = arith.constant 1 : i32
    %while3A_25 = scf.for %while3A_97 = %while3A_21 to %while3A_17 step %while3A_24 iter_args(%while3A_98 = %while3A_23) -> (vector<1024x1xf32>)  : i32 {
      %mul3A_99 = arith.constant 1024 : i32
      %mul3A_100 = arith.muli %while3A_97, %mul3A_99 : i32
      %get3A_101 = arith.constant 0 : index
      %get3A_102 = arith.index_cast %mul3A_100 : i32 to index
      %get3A_103 = vector.load %arg1[%get3A_101, %get3A_102] : memref<8x5120xf32, #tpu.memory_space<vmem>>, vector<1x1024xf32>
      %get3A_104 = arith.constant 1 : index
      %get3A_105 = arith.index_cast %mul3A_100 : i32 to index
      %get3A_106 = vector.load %arg1[%get3A_104, %get3A_105] : memref<8x5120xf32, #tpu.memory_space<vmem>>, vector<1x1024xf32>
      %get3A_107 = arith.constant 2 : index
      %get3A_108 = arith.index_cast %mul3A_100 : i32 to index
      %get3A_109 = vector.load %arg1[%get3A_107, %get3A_108] : memref<8x5120xf32, #tpu.memory_space<vmem>>, vector<1x1024xf32>
      %get3A_110 = arith.constant 3 : index
      %get3A_111 = arith.index_cast %mul3A_100 : i32 to index
      %get3A_112 = vector.load %arg1[%get3A_110, %get3A_111] : memref<8x5120xf32, #tpu.memory_space<vmem>>, vector<1x1024xf32>
      %add3A_113 = arith.addf %get3A_103, %get3A_109 : vector<1x1024xf32>
      %add3A_114 = arith.addf %get3A_106, %get3A_112 : vector<1x1024xf32>
      %mul3A_115 = arith.mulf %get3A_109, %get3A_112 : vector<1x1024xf32>
      %max3A_116 = vector.broadcast %slice3A : vector<1024x1xf32> to vector<1024x1024xf32>
      %max3A_117 = vector.broadcast %get3A_103 : vector<1x1024xf32> to vector<1024x1024xf32>
      %max3A_118 = arith.maximumf %max3A_116, %max3A_117 : vector<1024x1024xf32>
      %max3A_119 = vector.broadcast %slice3A_4 : vector<1024x1xf32> to vector<1024x1024xf32>
      %max3A_120 = vector.broadcast %get3A_106 : vector<1x1024xf32> to vector<1024x1024xf32>
      %max3A_121 = arith.maximumf %max3A_119, %max3A_120 : vector<1024x1024xf32>
      %min3A_122 = vector.broadcast %add3A : vector<1024x1xf32> to vector<1024x1024xf32>
      %min3A_123 = vector.broadcast %add3A_113 : vector<1x1024xf32> to vector<1024x1024xf32>
      %min3A_124 = arith.minimumf %min3A_122, %min3A_123 : vector<1024x1024xf32>
      %min3A_125 = vector.broadcast %add3A_7 : vector<1024x1xf32> to vector<1024x1024xf32>
      %min3A_126 = vector.broadcast %add3A_114 : vector<1x1024xf32> to vector<1024x1024xf32>
      %min3A_127 = arith.minimumf %min3A_125, %min3A_126 : vector<1024x1024xf32>
      %sub3A_128 = arith.subf %min3A_124, %max3A_118 : vector<1024x1024xf32>
      %jit3A_129 = arith.constant 0.000000e+00 : f32
      %max3A_130 = vector.broadcast %jit3A_129 : f32 to vector<1024x1024xf32>
      %max3A_131 = arith.maximumf %max3A_130, %sub3A_128 : vector<1024x1024xf32>
      %sub3A_132 = arith.subf %min3A_127, %max3A_121 : vector<1024x1024xf32>
      %jit3A_133 = arith.constant 0.000000e+00 : f32
      %max3A_134 = vector.broadcast %jit3A_133 : f32 to vector<1024x1024xf32>
      %max3A_135 = arith.maximumf %max3A_134, %sub3A_132 : vector<1024x1024xf32>
      %mul3A_136 = arith.mulf %max3A_131, %max3A_135 : vector<1024x1024xf32>
      %add3A_137 = vector.broadcast %mul3A : vector<1024x1xf32> to vector<1024x1024xf32>
      %add3A_138 = vector.broadcast %mul3A_115 : vector<1x1024xf32> to vector<1024x1024xf32>
      %add3A_139 = arith.addf %add3A_137, %add3A_138 : vector<1024x1024xf32>
      %sub3A_140 = arith.subf %add3A_139, %mul3A_136 : vector<1024x1024xf32>
      %max3A_141 = arith.constant 9.99999971E-10 : f32
      %max3A_142 = vector.broadcast %max3A_141 : f32 to vector<1024x1024xf32>
      %max3A_143 = arith.maximumf %sub3A_140, %max3A_142 : vector<1024x1024xf32>
      %div3A_144 = arith.divf %mul3A_136, %max3A_143 : vector<1024x1024xf32>
      %gt3A_145 = arith.constant 4.000000e-01 : f32
      %gt3A_146 = vector.broadcast %gt3A_145 : f32 to vector<1024x1024xf32>
      %gt3A_147 = arith.cmpf ogt, %div3A_144, %gt3A_146 : vector<1024x1024xf32>
      %get3A_148 = arith.index_cast %mul3A_100 : i32 to index
      %get3A_149 = arith.constant 0 : index
      %get3A_150 = vector.load %arg5[%get3A_148, %get3A_149] : memref<5120x1xf32, #tpu.memory_space<vmem>>, vector<1024x1xf32>
      %convert_element_type3A_151 = arith.extui %gt3A_147 : vector<1024x1024xi1> to vector<1024x1024xi32>
      %convert_element_type3A_152 = arith.sitofp %convert_element_type3A_151 : vector<1024x1024xi32> to vector<1024x1024xf32>
      %convert_element_type3A_153 = arith.truncf %convert_element_type3A_152 : vector<1024x1024xf32> to vector<1024x1024xbf16>
      %convert_element_type3A_154 = arith.truncf %get3A_150 : vector<1024x1xf32> to vector<1024x1xbf16>
      %dot_general3A_155 = arith.constant dense<0.000000e+00> : vector<1024x1xf32>
      %dot_general3A_156 = tpu.matmul %convert_element_type3A_153, %convert_element_type3A_154, %dot_general3A_155 {dimension_numbers = #tpu.dot_dimension_numbers<[1], [0], [0], [1], [0, 0, 1, 1], [], []>, transpose_lhs_hint = false} : vector<1024x1024xbf16>, vector<1024x1xbf16>, vector<1024x1xf32> -> vector<1024x1xf32>
      %add3A_157 = arith.addf %while3A_98, %dot_general3A_156 : vector<1024x1xf32>
      scf.yield %add3A_157 : vector<1024x1xf32>
    }
    %lt3A = arith.constant 5.000000e-01 : f32
    %lt3A_26 = vector.broadcast %lt3A : f32 to vector<1024x1xf32>
    %lt3A_27 = arith.cmpf olt, %while3A_25, %lt3A_26 : vector<1024x1xf32>
    %convert_element_type3A_28 = arith.extui %lt3A_27 : vector<1024x1xi1> to vector<1024x1xi32>
    %convert_element_type3A_29 = arith.sitofp %convert_element_type3A_28 : vector<1024x1xi32> to vector<1024x1xf32>
    %mul3A_30 = arith.mulf %convert_element_type3A_12, %convert_element_type3A_29 : vector<1024x1xf32>
    %get3A_31 = arith.constant 0 : index
    %get3A_32 = arith.constant 0 : index
    %get3A_33 = vector.load %arg2[%get3A_31, %get3A_32] : memref<8x1024xf32, #tpu.memory_space<vmem>>, vector<8x1024xf32>
    %slice3A_34 = vector.extract_strided_slice %get3A_33 {offsets = [0, 0], sizes = [1, 1024], strides = [1, 1]} : vector<8x1024xf32> to vector<1x1024xf32>
    %slice3A_35 = vector.extract_strided_slice %get3A_33 {offsets = [1, 0], sizes = [1, 1024], strides = [1, 1]} : vector<8x1024xf32> to vector<1x1024xf32>
    %slice3A_36 = vector.extract_strided_slice %get3A_33 {offsets = [2, 0], sizes = [1, 1024], strides = [1, 1]} : vector<8x1024xf32> to vector<1x1024xf32>
    %slice3A_37 = vector.extract_strided_slice %get3A_33 {offsets = [3, 0], sizes = [1, 1024], strides = [1, 1]} : vector<8x1024xf32> to vector<1x1024xf32>
    %add3A_38 = arith.addf %slice3A_34, %slice3A_36 : vector<1x1024xf32>
    %add3A_39 = arith.addf %slice3A_35, %slice3A_37 : vector<1x1024xf32>
    %mul3A_40 = arith.mulf %slice3A_36, %slice3A_37 : vector<1x1024xf32>
    %iota3A = tpu.iota {dimensions = array<i32: 1>} : vector<1024x1024xi32>
    %iota3A_41 = tpu.iota {dimensions = array<i32: 0>} : vector<1024x1024xi32>
    %lt3A_42 = arith.cmpi slt, %iota3A, %iota3A_41 : vector<1024x1024xi32>
    %max3A = vector.broadcast %slice3A : vector<1024x1xf32> to vector<1024x1024xf32>
    %max3A_43 = vector.broadcast %slice3A_34 : vector<1x1024xf32> to vector<1024x1024xf32>
    %max3A_44 = arith.maximumf %max3A, %max3A_43 : vector<1024x1024xf32>
    %max3A_45 = vector.broadcast %slice3A_4 : vector<1024x1xf32> to vector<1024x1024xf32>
    %max3A_46 = vector.broadcast %slice3A_35 : vector<1x1024xf32> to vector<1024x1024xf32>
    %max3A_47 = arith.maximumf %max3A_45, %max3A_46 : vector<1024x1024xf32>
    %min3A = vector.broadcast %add3A : vector<1024x1xf32> to vector<1024x1024xf32>
    %min3A_48 = vector.broadcast %add3A_38 : vector<1x1024xf32> to vector<1024x1024xf32>
    %min3A_49 = arith.minimumf %min3A, %min3A_48 : vector<1024x1024xf32>
    %min3A_50 = vector.broadcast %add3A_7 : vector<1024x1xf32> to vector<1024x1024xf32>
    %min3A_51 = vector.broadcast %add3A_39 : vector<1x1024xf32> to vector<1024x1024xf32>
    %min3A_52 = arith.minimumf %min3A_50, %min3A_51 : vector<1024x1024xf32>
    %sub3A = arith.subf %min3A_49, %max3A_44 : vector<1024x1024xf32>
    %jit3A = arith.constant 0.000000e+00 : f32
    %max3A_53 = vector.broadcast %jit3A : f32 to vector<1024x1024xf32>
    %max3A_54 = arith.maximumf %max3A_53, %sub3A : vector<1024x1024xf32>
    %sub3A_55 = arith.subf %min3A_52, %max3A_47 : vector<1024x1024xf32>
    %jit3A_56 = arith.constant 0.000000e+00 : f32
    %max3A_57 = vector.broadcast %jit3A_56 : f32 to vector<1024x1024xf32>
    %max3A_58 = arith.maximumf %max3A_57, %sub3A_55 : vector<1024x1024xf32>
    %mul3A_59 = arith.mulf %max3A_54, %max3A_58 : vector<1024x1024xf32>
    %add3A_60 = vector.broadcast %mul3A : vector<1024x1xf32> to vector<1024x1024xf32>
    %add3A_61 = vector.broadcast %mul3A_40 : vector<1x1024xf32> to vector<1024x1024xf32>
    %add3A_62 = arith.addf %add3A_60, %add3A_61 : vector<1024x1024xf32>
    %sub3A_63 = arith.subf %add3A_62, %mul3A_59 : vector<1024x1024xf32>
    %max3A_64 = arith.constant 9.99999971E-10 : f32
    %max3A_65 = vector.broadcast %max3A_64 : f32 to vector<1024x1024xf32>
    %max3A_66 = arith.maximumf %sub3A_63, %max3A_65 : vector<1024x1024xf32>
    %div3A = arith.divf %mul3A_59, %max3A_66 : vector<1024x1024xf32>
    %gt3A_67 = arith.constant 4.000000e-01 : f32
    %gt3A_68 = vector.broadcast %gt3A_67 : f32 to vector<1024x1024xf32>
    %gt3A_69 = arith.cmpf ogt, %div3A, %gt3A_68 : vector<1024x1024xf32>
    %and3A = arith.andi %gt3A_69, %lt3A_42 : vector<1024x1024xi1>
    %convert_element_type3A_70 = arith.extui %and3A : vector<1024x1024xi1> to vector<1024x1024xi32>
    %convert_element_type3A_71 = arith.sitofp %convert_element_type3A_70 : vector<1024x1024xi32> to vector<1024x1024xf32>
    %convert_element_type3A_72 = arith.truncf %convert_element_type3A_71 : vector<1024x1024xf32> to vector<1024x1024xbf16>
    %swap3A = arith.constant 0 : index
    %swap3A_73 = arith.constant 0 : index
    %swap3A_74 = vector.load %arg7[%swap3A, %swap3A_73] : memref<1024x1024xbf16, #tpu.memory_space<vmem>>, vector<1024x1024xbf16>
    tpu.vector_store %arg7[%swap3A, %swap3A_73], %convert_element_type3A_72 {strides = array<i32>} : memref<1024x1024xbf16, #tpu.memory_space<vmem>>, vector<1024x1024xbf16>,
    %get3A_75 = arith.constant 0 : index
    %get3A_76 = arith.constant 0 : index
    %get3A_77 = vector.load %arg7[%get3A_75, %get3A_76] : memref<1024x1024xbf16, #tpu.memory_space<vmem>>, vector<1024x1024xbf16>
    %convert_element_type3A_78 = arith.truncf %mul3A_30 : vector<1024x1xf32> to vector<1024x1xbf16>
    %dot_general3A = arith.constant dense<0.000000e+00> : vector<1024x1xf32>
    %dot_general3A_79 = tpu.matmul %get3A_77, %convert_element_type3A_78, %dot_general3A {dimension_numbers = #tpu.dot_dimension_numbers<[1], [0], [0], [1], [0, 0, 1, 1], [], []>, transpose_lhs_hint = false} : vector<1024x1024xbf16>, vector<1024x1xbf16>, vector<1024x1xf32> -> vector<1024x1xf32>
    %lt3A_80 = arith.constant 5.000000e-01 : f32
    %lt3A_81 = vector.broadcast %lt3A_80 : f32 to vector<1024x1xf32>
    %lt3A_82 = arith.cmpf olt, %dot_general3A_79, %lt3A_81 : vector<1024x1xf32>
    %convert_element_type3A_83 = arith.extui %lt3A_82 : vector<1024x1xi1> to vector<1024x1xi32>
    %convert_element_type3A_84 = arith.sitofp %convert_element_type3A_83 : vector<1024x1xi32> to vector<1024x1xf32>
    %mul3A_85 = arith.mulf %mul3A_30, %convert_element_type3A_84 : vector<1024x1xf32>
    %while3A_86:2 = scf.while (%while3A_97 = %mul3A_30, %while3A_98 = %mul3A_85) : (vector<1024x1xf32>, vector<1024x1xf32>) -> (vector<1024x1xf32>, vector<1024x1xf32>) {
      %sub3A_99 = arith.subf %while3A_97, %while3A_98 : vector<1024x1xf32>
      %abs3A = math.absf %sub3A_99 : vector<1024x1xf32>
      %reduce_max3A = vector.shape_cast %abs3A : vector<1024x1xf32> to vector<1x1024x1xf32>
      %reduce_max3A_100 = arith.constant dense<0xFF800000> : vector<1xf32>
      %reduce_max3A_101 = vector.multi_reduction <maximumf>, %reduce_max3A, %reduce_max3A_100 [1, 2] : vector<1x1024x1xf32> to vector<1xf32>
      %reduce_max3A_102 = vector.shape_cast %reduce_max3A_101 : vector<1xf32> to vector<1x1x1xf32>
      %reduce_max3A_103 = vector.extract %reduce_max3A_102[0, 0, 0] : f32 from vector<1x1x1xf32>
      %gt3A_104 = arith.constant 0.000000e+00 : f32
      %gt3A_105 = arith.cmpf ogt, %reduce_max3A_103, %gt3A_104 : f32
      scf.condition(%gt3A_105) %while3A_97, %while3A_98 : vector<1024x1xf32>, vector<1024x1xf32>
    } do {
    ^bb0(%while3A_97: vector<1024x1xf32>, %while3A_98: vector<1024x1xf32>):
      %get3A_99 = arith.constant 0 : index
      %get3A_100 = arith.constant 0 : index
      %get3A_101 = vector.load %arg7[%get3A_99, %get3A_100] : memref<1024x1024xbf16, #tpu.memory_space<vmem>>, vector<1024x1024xbf16>
      %convert_element_type3A_102 = arith.truncf %while3A_98 : vector<1024x1xf32> to vector<1024x1xbf16>
      %dot_general3A_103 = arith.constant dense<0.000000e+00> : vector<1024x1xf32>
      %dot_general3A_104 = tpu.matmul %get3A_101, %convert_element_type3A_102, %dot_general3A_103 {dimension_numbers = #tpu.dot_dimension_numbers<[1], [0], [0], [1], [0, 0, 1, 1], [], []>, transpose_lhs_hint = false} : vector<1024x1024xbf16>, vector<1024x1xbf16>, vector<1024x1xf32> -> vector<1024x1xf32>
      %lt3A_105 = arith.constant 5.000000e-01 : f32
      %lt3A_106 = vector.broadcast %lt3A_105 : f32 to vector<1024x1xf32>
      %lt3A_107 = arith.cmpf olt, %dot_general3A_104, %lt3A_106 : vector<1024x1xf32>
      %convert_element_type3A_108 = arith.extui %lt3A_107 : vector<1024x1xi1> to vector<1024x1xi32>
      %convert_element_type3A_109 = arith.sitofp %convert_element_type3A_108 : vector<1024x1xi32> to vector<1024x1xf32>
      %mul3A_110 = arith.mulf %mul3A_30, %convert_element_type3A_109 : vector<1024x1xf32>
      %get3A_111 = arith.constant 0 : index
      %get3A_112 = arith.constant 0 : index
      %get3A_113 = vector.load %arg7[%get3A_111, %get3A_112] : memref<1024x1024xbf16, #tpu.memory_space<vmem>>, vector<1024x1024xbf16>
      %convert_element_type3A_114 = arith.truncf %mul3A_110 : vector<1024x1xf32> to vector<1024x1xbf16>
      %dot_general3A_115 = arith.constant dense<0.000000e+00> : vector<1024x1xf32>
      %dot_general3A_116 = tpu.matmul %get3A_113, %convert_element_type3A_114, %dot_general3A_115 {dimension_numbers = #tpu.dot_dimension_numbers<[1], [0], [0], [1], [0, 0, 1, 1], [], []>, transpose_lhs_hint = false} : vector<1024x1024xbf16>, vector<1024x1xbf16>, vector<1024x1xf32> -> vector<1024x1xf32>
      %lt3A_117 = arith.constant 5.000000e-01 : f32
      %lt3A_118 = vector.broadcast %lt3A_117 : f32 to vector<1024x1xf32>
      %lt3A_119 = arith.cmpf olt, %dot_general3A_116, %lt3A_118 : vector<1024x1xf32>
      %convert_element_type3A_120 = arith.extui %lt3A_119 : vector<1024x1xi1> to vector<1024x1xi32>
      %convert_element_type3A_121 = arith.sitofp %convert_element_type3A_120 : vector<1024x1xi32> to vector<1024x1xf32>
      %mul3A_122 = arith.mulf %mul3A_30, %convert_element_type3A_121 : vector<1024x1xf32>
      scf.yield %mul3A_110, %mul3A_122 : vector<1024x1xf32>, vector<1024x1xf32>
    }
    %mul3A_87 = arith.constant 1024 : i32
    %mul3A_88 = arith.muli %arg0, %mul3A_87 : i32
    %swap3A_89 = arith.index_cast %mul3A_88 : i32 to index
    %swap3A_90 = arith.constant 0 : index
    %swap3A_91 = vector.load %arg5[%swap3A_89, %swap3A_90] : memref<5120x1xf32, #tpu.memory_space<vmem>>, vector<1024x1xf32>
    tpu.vector_store %arg5[%swap3A_89, %swap3A_90], %while3A_86#1 {strides = array<i32>} : memref<5120x1xf32, #tpu.memory_space<vmem>>, vector<1024x1xf32>,
    %eq3A_92 = arith.constant 4 : i32
    %eq3A_93 = arith.cmpi eq, %arg0, %eq3A_92 : i32
    %convert_element_type3A_94 = arith.extui %eq3A_93 : i1 to i32
    %cond3A_95 = arith.constant 0 : i32
    %cond3A_96 = arith.cmpi ne, %convert_element_type3A_94, %cond3A_95 : i32
    scf.if %cond3A_96 {
      %get3A_97 = arith.constant 0 : index
      %get3A_98 = arith.constant 0 : index
      %get3A_99 = vector.load %arg4[%get3A_97, %get3A_98] : memref<5120x8xf32, #tpu.memory_space<vmem>>, vector<5120x4xf32>
      %get3A_100 = arith.constant 0 : index
      %get3A_101 = arith.constant 0 : index
      %get3A_102 = vector.load %arg5[%get3A_100, %get3A_101] : memref<5120x1xf32, #tpu.memory_space<vmem>>, vector<5120x1xf32>
      %mul3A_103 = vector.broadcast %get3A_102 : vector<5120x1xf32> to vector<5120x4xf32>
      %mul3A_104 = arith.mulf %get3A_99, %mul3A_103 : vector<5120x4xf32>
      %swap3A_105 = arith.constant 0 : index
      %swap3A_106 = arith.constant 0 : index
      %swap3A_107 = vector.load %arg6[%swap3A_105, %swap3A_106] : memref<5120x4xf32, #tpu.memory_space<vmem>>, vector<5120x4xf32>
      tpu.vector_store %arg6[%swap3A_105, %swap3A_106], %mul3A_104 {strides = array<i32>} : memref<5120x4xf32, #tpu.memory_space<vmem>>, vector<5120x4xf32>,
    } else {
    }
    return
  }
  func.func @transform_0(%arg0: i32) -> (i32, i32) {
    %c0_i32 = arith.constant 0 : i32
    %c0_i32_0 = arith.constant 0 : i32
    %c0_i32_1 = arith.constant 0 : i32
    return %c0_i32, %c0_i32_0 : i32, i32
  }
  func.func @transform_1(%arg0: i32) -> (i32, i32) {
    %c0_i32 = arith.constant 0 : i32
    %c0_i32_0 = arith.constant 0 : i32
    return %c0_i32, %arg0 : i32, i32
  }
  func.func @transform_2(%arg0: i32) -> (i32, i32) {
    %c0_i32 = arith.constant 0 : i32
    %c0_i32_0 = arith.constant 0 : i32
    return %arg0, %c0_i32 : i32, i32
  }
  func.func @transform_3(%arg0: i32) -> (i32, i32) {
    %c0_i32 = arith.constant 0 : i32
    %c0_i32_0 = arith.constant 0 : i32
    %c0_i32_1 = arith.constant 0 : i32
    return %c0_i32, %c0_i32_0 : i32, i32
  }
  func.func @transform_4(%arg0: i32) -> (i32, i32) {
    %c0_i32 = arith.constant 0 : i32
    %c0_i32_0 = arith.constant 0 : i32
    %c0_i32_1 = arith.constant 0 : i32
    return %c0_i32, %c0_i32_0 : i32, i32
  }
  func.func @transform_5(%arg0: i32) -> (i32, i32) {
    %c0_i32 = arith.constant 0 : i32
    %c0_i32_0 = arith.constant 0 : i32
    %c0_i32_1 = arith.constant 0 : i32
    return %c0_i32, %c0_i32_0 : i32, i32
  }
}

</mosaic_0001>

<sc_bundles>
// kernel: kernel.5.cloned.1.call-start
scs
__scs_entry_jumppad:
0x0: {  	(pc) =	sbr.rel $0x88, $3  }
0x1: {  	(tag) =	ssettag $0x0;
	lr =	simm.s32 $0x1  }
0x2: {  	[smem:$0x3F9F] =	sst lr;
	_ =	strace $0xD0000000  }
0x3: {  	_ = 	snop  }
0x4: {  	_ = 	snop  }
0x5: {  	_ = 	snop  }
0x6: {  	_ = 	snop  }
0x7: {  	_ = 	snop  }
__scs_overlays_trampoline_lowered:
0x8: {  	[smem:$0x3FAE] =	sst s0  }
0x9: {  	[smem:$0x3FAF] =	sst s1  }
0xa: {  	[smem:$0x3FB0] =	sst s2  }
0xb: {  	[smem:$0x3FB1] =	sst s3  }
0xc: {  	[smem:$0x3FB2] =	sst s4  }
0xd: {  	[smem:$0x3FB3] =	sst s5  }
0xe: {  	[smem:$0x3FB4] =	sst s6  }
0xf: {  	[smem:$0x3FB5] =	sst s7  }
0x10: {  	[smem:$0x3FB6] =	sst s8  }
0x11: {  	[smem:$0x3FB7] =	sst s9;
	s0 =	simm.s32 @!p0 $0x0  }
0x12: {  	s1 =	sld [smem:$0x3F9D];
	s0 =	simm.s32 @p0 $0x1  }
0x13: {  	[smem:$0x3FB8] =	sst s0;
	s0 =	simm.s32 @!p1 $0x0  }
0x14: {  	s2 =	sld [smem:$0x3F9C];
	s0 =	simm.s32 @p1 $0x1  }
0x15: {  	[smem:$0x3FB9] =	sst s0;
	s0 =	simm.s32 @!p2 $0x0  }
0x16: {  	s3 =	sld [smem:$0x3FDB];
	s0 =	simm.s32 @p2 $0x1  }
0x17: {  	s4 =	simm.s32 $0x1BF5;
	[smem:$0x3FBB] =	sst s0  }
0x18: {  	s0 =	sld [smem:$0x3F9E];
	_ =	swait.ge [sflag:s4], $0x0  }
0x19: {  	s7 =	sld [smem:$0x3F9F]  }
0x1a: {  	s8 =	sadd.s32 $0xFFFFE003, lr  }
0x1b: {  	s9 =	sadd.s32 $0xFFFFFEF7, lr;
	s5 =	simm.s32 $0xFFFFFFFF;
	p2 =	slt.u32 s8, $0xFFFFF086  }
0x1c: {  	p1 =	slt.u32 s9, $0xF7A;
	s5 =	simm.s32 @!p2 $0x0  }
0x1d: {  	s5 =	simm.s32 @p1 $0x1;
	p0 =	seq.s32 s7, s2  }
0x1e: {  	s7 =	smul.u32 @!p0 $0xF7A, s2;
	p2 =	seq.s32 @!p0 s5, $0x0  }
0x1f: {  	s9 =	smul.u32 $0xF7A, s1;
	s8 =	simm.s32 @!p0 $0x1BF5;
	p2 =	por !p2, p0  }
0x20: {  	[sflag:s8] =	ssyncset.s32 @!p0 $0xFFFFF086;
	s6 =	sadd.s32 @!p0 s3, s7;
	s7 =	simm.s32 @!p0 $0x108  }
0x21: {  	s3 =	sadd.s32 s3, s9;
	s6 =	sadd.s32 @!p0 $0x88, s6;
	s7 =	simm.s32 @p2 $0x1082  }
0x22: {  	[simem:s7], [sflag:s8] =	dma.local @!p0 [hbm:s6], $0xF7A  }
0x23: {  	s9 =	sor.u32 $0xD0000000, s2;
	s6 =	simm.s32 $0x108;
	_ =	swait.ge @!p0 [sflag:s8], $0x0  }
0x24: {  	s3 =	sadd.s32 $0x88, s3;
	s6 =	simm.s32 @!p1 $0x1082;
	[sflag:s4] =	ssyncset.s32 $0xFFFFF086  }
0x25: {  	[simem:s6], [sflag:s4] =	dma.local [hbm:s3], $0xF7A  }
0x26: {  	[smem:$0x3F9F] =	sst s1;
	(tag) =	ssettag s2;
	_ =	strace s9  }
0x27: {  	s1 =	sld [smem:$0x3FAF]  }
0x28: {  	s2 =	sld [smem:$0x3FB0]  }
0x29: {  	s4 =	sld [smem:$0x3FB2]  }
0x2a: {  	p0 =	seq.s32 s5, $0x0;
	s5 =	sld [smem:$0x3FB3]  }
0x2b: {  	s6 =	sld [smem:$0x3FB4]  }
0x2c: {  	s7 =	sld [smem:$0x3FB5]  }
0x2d: {  	s3 =	simm.s32 $0x108;
	s8 =	sld [smem:$0x3FB6]  }
0x2e: {  	s3 =	simm.s32 @!p0 $0x1082;
	s9 =	sld [smem:$0x3FB7]  }
0x2f: {  	lr =	sadd.s32 s0, s3;
	s0 =	sld [smem:$0x3FAE]  }
0x30: {  	s3 =	sld [smem:$0x3FB1]  }
0x31: {  	[smem:$0x3FBA] =	sst s10  }
0x32: {  	s10 =	sld [smem:$0x3FB8];
	_ =	sdelay $0x3  }
0x33: {  	p0 =	seq.s32 s10, $0x1;
	s10 =	sld [smem:$0x3FBA];
	_ =	sdelay $0x3  }
0x34: {  	[smem:$0x3FBA] =	sst s10  }
0x35: {  	s10 =	sld [smem:$0x3FB9];
	_ =	sdelay $0x3  }
0x36: {  	p1 =	seq.s32 s10, $0x1;
	s10 =	sld [smem:$0x3FBA];
	_ =	sdelay $0x3  }
0x37: {  	[smem:$0x3FBA] =	sst s10  }
0x38: {  	s10 =	sld [smem:$0x3FBB]  }
0x39: {  	_ = 	snop;
	(pc) =	sbr.ind lr, $3  }
0x3a: {  	_ = 	snop  }
0x3b: {  	_ = 	snop  }
0x3c: {  	p2 =	seq.s32 s10, $0x1;
	s10 =	sld [smem:$0x3FBA]  }
0x3d: {  	_ =	shalt  }
0x3e: {  	_ =	shalt  }
0x3f: {  	_ =	shalt  }
0x40: {  	_ =	shalt  }
0x41: {  	_ =	shalt  }
0x42: {  	_ =	shalt  }
0x43: {  	_ =	shalt  }
0x44: {  	_ =	shalt  }
0x45: {  	_ =	shalt  }
0x46: {  	_ =	shalt  }
0x47: {  	_ =	shalt  }
0x48: {  	_ =	shalt  }
0x49: {  	_ =	shalt  }
0x4a: {  	_ =	shalt  }
0x4b: {  	_ =	shalt  }
0x4c: {  	_ =	shalt  }
0x4d: {  	_ =	shalt  }
0x4e: {  	_ =	shalt  }
0x4f: {  	_ =	shalt  }
0x50: {  	_ =	shalt  }
0x51: {  	_ =	shalt  }
0x52: {  	_ =	shalt  }
0x53: {  	_ =	shalt  }
0x54: {  	_ =	shalt  }
0x55: {  	_ =	shalt  }
0x56: {  	_ =	shalt  }
0x57: {  	_ =	shalt  }
0x58: {  	_ =	shalt  }
0x59: {  	_ =	shalt  }
0x5a: {  	_ =	shalt  }
0x5b: {  	_ =	shalt  }
0x5c: {  	_ =	shalt  }
0x5d: {  	_ =	shalt  }
0x5e: {  	_ =	shalt  }
0x5f: {  	_ =	shalt  }
0x60: {  	_ =	shalt  }
0x61: {  	_ =	shalt  }
0x62: {  	_ =	shalt  }
0x63: {  	_ =	shalt  }
0x64: {  	_ =	shalt  }
0x65: {  	_ =	shalt  }
0x66: {  	_ =	shalt  }
0x67: {  	_ =	shalt  }
0x68: {  	_ =	shalt  }
0x69: {  	_ =	shalt  }
0x6a: {  	_ =	shalt  }
0x6b: {  	_ =	shalt  }
0x6c: {  	_ =	shalt  }
0x6d: {  	_ =	shalt  }
0x6e: {  	_ =	shalt  }
0x6f: {  	_ =	shalt  }
0x70: {  	_ =	shalt  }
0x71: {  	_ =	shalt  }
0x72: {  	_ =	shalt  }
0x73: {  	_ =	shalt  }
0x74: {  	_ =	shalt  }
0x75: {  	_ =	shalt  }
0x76: {  	_ =	shalt  }
0x77: {  	_ =	shalt  }
0x78: {  	_ =	shalt  }
0x79: {  	_ =	shalt  }
0x7a: {  	_ =	shalt  }
0x7b: {  	_ =	shalt  }
0x7c: {  	_ =	shalt  }
0x7d: {  	_ =	shalt  }
0x7e: {  	_ =	shalt  }
0x7f: {  	_ =	shalt  }
0x80: {  	_ =	shalt  }
0x81: {  	_ =	shalt  }
0x82: {  	_ =	shalt  }
0x83: {  	_ =	shalt  }
0x84: {  	_ =	shalt  }
0x85: {  	_ =	shalt  }
0x86: {  	_ =	shalt  }
0x87: {  	_ =	shalt  }
.Lfunc_end0:
.L_simem_size_0:
called_computation_lowered:
.L_overlay_start_0:
0x88: {  	s2 =	sld [smem:$0x3FD9]  }
0x89: {  	s3 =	sld [smem:$0x3FFE];
	_ =	sdelay $0x1  }
0x8a: {  	s1 =	srdreg.scid  }
0x8b: {  	s0 =	sand.u32 $0x1, s1  }
0x8c: {  	s14 =	sshll.u32 s0, $0xA;
	s2 =	sadd.s32 s3, s2  }
0x8d: {  	s2 =	sadd.s32 s2, s14  }
0x8e: {  	[smem:$0x3FC6] =	sst s2  }
0x8f: {  	_ = 	snop  }
0x90: {  	s2 =	sld [smem:$0x3FD0];
	_ =	sdelay $0x2  }
0x91: {  	s15 =	simm.s32 $0xA;
	s4 =	simm.s32 $0x10  }
0x92: {  	[smem:s4], [sflag:s15] =	dma.local [hbm:s2], $0x1  }
0x93: {  	_ =	swait.eq [sflag:s15], $0x1  }
0x94: {  	[sflag:s15] =	ssyncset.done $0x0  }
0x95: {  	[sflag:s15] =	ssyncadd.s32 $0xFFFFFFFF  }
0x96: {  	s16 =	sld [smem:$0x10];
	(tm) =	ssettm $0x1  }
0x97: {  	s17 =	sld [smem:$0x3FFB];
	_ =	sdelay $0x3  }
0x98: {  	_ =	strace s17  }
0x99: {  	s3 =	sld [smem:$0x3FFC];
	_ =	sdelay $0x3  }
0x9a: {  	_ =	strace s3  }
0x9b: {  	s3 =	sld [smem:$0x3FFD];
	_ =	sdelay $0x3  }
0x9c: {  	_ =	strace s3  }
0x9d: {  	_ =	strace $0x8FFFFFFF  }
0x9e: {  	s18 =	sld [smem:$0x3FDB];
	_ =	sdelay $0x1  }
0x9f: {  	s19 =	simm.s32 $_scs_section_size  }
0xa0: {  	s5 =	simm.s32 $_size__tile_overlayer_lowered;
	s6 =	simm.s32 $_tile_overlayer_lowered  }
0xa1: {  	s22 =	simm.s32 $0x1BFF;
	s21 =	sshll.u32 s6, $0x1;
	s3 =	sadd.s32 s19, s18  }
0xa2: {  	s7 =	simm.s32 $0x0;
	s20 =	sshll.u32 s5, $0x1;
	s5 =	sadd.s32 s21, s3  }
0xa3: {  	[timem:s7], [sflag:s22] =	dma.local [hbm:s5], s20  }
0xa4: {  	_ =	swait.ge [sflag:s22], s20  }
0xa5: {  	s4 =	ssub.s32 $0x0, s20;
	[sflag:s22] =	ssyncset.done $0x0  }
0xa6: {  	[sflag:s22] =	ssyncadd.s32 s4;
	_ =	sdelay $0x1  }
0xa7: {  	s23 =	simm.s32 $0x1B8B  }
0xa8: {  	_ =	swait.ge [sflag:s23], $0x1  }
0xa9: {  	[sflag:s23] =	ssyncset.done $0x0  }
0xaa: {  	s25 =	simm.s32 $0x1B8E;
	s24 =	sld [smem:$0x3FFE];
	[sflag:s23] =	ssyncadd.s32 $0xFFFFFFFF  }
0xab: {  	s26 =	simm.s32 $execute0_lowered;
	[smem:$0x3FD2] =	sst s25  }
0xac: {  	s5 =	sshll.u32 s26, $0x1;
	_ =	strace $0x80000046;
	[dreg:$0x1] =	wrdreg $0xFFFFFFFF  }
0xad: {  	s28 =	simm.s32 $_size_execute0_lowered;
	s3 =	sadd.s32 s3, s5;
	[dreg:$0x0] =	wrdreg $0x0  }
0xae: {  	s5 =	sshll.u32 s28, $0x1;
	[dreg:$0x2] =	wrdreg s3  }
0xaf: {  	[dreg:$0x3] =	wrdreg s5  }
0xb0: {  	[dreg:$0x4] =	wrdreg $0xC0  }
0xb1: {  	_ =	task [dreg:s7], $0x5FFFF  }
0xb2: {  	[dreg:$0x1] =	wrdreg $0xFFFFFFFF  }
0xb3: {  	[dreg:$0x0] =	wrdreg $0x60  }
0xb4: {  	[dreg:$0x2] =	wrdreg s24  }
0xb5: {  	[dreg:$0x3] =	wrdreg s16  }
0xb6: {  	[dreg:$0x4] =	wrdreg $0x9  }
0xb7: {  	_ =	task.clear_ibuf [dreg:s7], $0x5FFFF;
	_ =	strace $0x90000046  }
0xb8: {  	s29 =	simm.s32 $0x9;
	_ =	strace $0x80000048  }
0xb9: {  	_ =	swait.ge [sflag:s29], $0x1  }
0xba: {  	[sflag:s29] =	ssyncadd.s32 $0xFFFFFFFF  }
0xbb: {  	_ =	strace $0x90000048  }
0xbc: {  	_ =	sfence  }
0xbd: {  	s30 =	sld [smem:$0x0];
	_ =	sdelay $0x2  }
0xbe: {  	s31 =	sshll.u32 s1, $0xD;
	s1 =	sshrl.u32 s1, $0x2  }
0xbf: {  	s3 =	sand.u32 $0x4000, s31;
	s1 =	sadd.s32 s1, s30  }
0xc0: {  	s0 =	sor.u32 s3, s0;
	s1 =	sshll.u32 s1, $0x11  }
0xc1: {  	s0 =	sor.u32 s1, s0  }
0xc2: {  	s0 =	sadd.s32 $0x8F2B, s0  }
0xc3: {  	[sflag:s0] =	ssyncadd.remote.s32 $0x1  }
0xc4: {  	_ =	sfence.sel $0xFFFF  }
0xc5: {  	[dreg:$0x0] =	wrdreg $0xFFFFFFFF;
	(pc) =	sbr.abs _section_cstart, $3  }
0xc6: {  	[dreg:$0x1] =	wrdreg $0xFFFFFFFF  }
0xc7: {  	_ =	task.clear_ibuf [dreg:s7], $0x2FFFF;
	_ =	strace $0x9FFFFFFF  }
0xc8: {  	(tm) =	ssettm $0x7FFFFFFF  }
0xc9: {  	_ =	shalt  }
tec
execute0_lowered:
.L_overlay_start_1:
0x0: {  	(tag) =	ssettag $0x1  }
0x1: {  	s5 =	rddreg [dreg:$0x0]  }
0x2: {  	s1 =	rddreg [dreg:$0x1]  }
0x3: {  	s2 =	srdreg.scid;
	s0 =	rddreg [dreg:$0x2];
	_ =	strace $0x80000047  }
0x4: {  	s9 =	simm.s32 $0xB400;
	s6 =	sand.u32 $0x1, s2;
	s3 =	sadd.s32 $0x200, s5  }
.Ltmp0:
0x5: {  	s2 =	stileid.u32;
	s7 =	ssub.s32 $0x2, s6;
	(pc) =	sbr.rel .LBB2_1-.Ltmp0, $4  }
0x6: {  	s4 =	sadd.s32 $0x1600, s5;
	s31 =	sshll.u32 s2, $0x1;
	s8 =	sshrl.u32 s7, $0x1  }
0x7: {  	s5 =	sadd.s32 $0x2A00, s5;
	s10 =	sor.u32 s6, s31;
	s7 =	ssub.s32 s7, s8  }
0x8: {  	v0 =	vlaneseq.u32;
	p0 =	seq.s32 s10, $0x1;
	s8 =	simm.s32 $0x1;
	p1 =	sne.s32 s10, $0x0  }
0x9: {  	v0 =	vmul.u32 $0x8, v0;
	s10 =	simm.s32 $0x0;
	s6 =	smax.u32 s7, $0x1;
	s7 =	simm.s32 $0x0  }
.LBB2_9:
0xa: {  	_ =	swait.ge [sflag:s8], $0xA000  }
0xb: {  	[sflag:s8] =	ssyncset.done $0x0  }
0xc: {  	[sflag:s8] =	ssyncadd.s32 $0xFFFF6000  }
.LBB2_10:
0xd: {  	s10 =	sadd.s32 $0x1, s10  }
0xe: {  	p2 =	sne.s32 s10, s6  }
.Ltmp1:
0xf: {  	_ = 	snop;
	(pc) =	sbr.rel @!p2 .LBB2_11-.Ltmp1, $1  }
0x10: {  	_ =	sdelay $0x3  }
.LBB2_1:
.Ltmp2:
0x11: {  	(pc) =	sbr.rel @p0 .LBB2_6-.Ltmp2, $1  }
0x12: {  	_ =	sdelay $0x3  }
.Ltmp3:
0x13: {  	(pc) =	sbr.rel @p1 .LBB2_10-.Ltmp3, $1  }
0x14: {  	_ =	sdelay $0x3  }
0x15: {  	s12 =	simm.s32 $0x0  }
0x16: {  	[tilespmem:s12], [sflag:$0x1] =	stream.linear.gather [hbm4b:s3+s12], $0xA000, $0x38;
	[tilespmem:$0x15400] =	vst v63  }
0x17: {  	_ =	swait.ge [sflag:s8], $0xA000  }
0x18: {  	[sflag:s8] =	ssyncset.done $0x0  }
0x19: {  	s11 =	simm.s32 $0xA000;
	[sflag:s8] =	ssyncadd.s32 $0xFFFF6000  }
0x1a: {  	[tilespmem:s11], [sflag:$0x1] =	stream.linear.gather [hbm4b:s1+s12], $0x1400, $0x38;
	[tilespmem:$0x15400] =	vst v63  }
0x1b: {  	_ =	swait.ge [sflag:s8], $0x1400  }
0x1c: {  	v1 =	vmov s12;
	[sflag:s8] =	ssyncset.done $0x0  }
0x1d: {  	v1 =	vshll.u32 v1, $0x3;
	[sflag:s8] =	ssyncadd.s32 $0xFFFFEC00  }
0x1e: {  	v1 =	vor.u32 v0, v1;
	v2 =	vld [tilespmem:s11+$0x0];
	_ =	sdelay $0x4  }
0x1f: {  	v3 =	vld.idx.msk [tilespmem:v1+s7+$0x0], $0xffff;
	v2 =	vshll.u32 v2, $0x3  }
0x20: {  	v4 =	vor.u32 $0x1, v1;
	_ =	sdelay $0x3  }
0x21: {  	[tilespmem:v2+s9+$0x0] =	vst.idx.msk $0xffff, v3  }
0x22: {  	v3 =	vld.idx.msk [tilespmem:v4+s7+$0x0], $0xffff;
	v4 =	vor.u32 $0x1, v2  }
0x23: {  	v5 =	vor.u32 $0x2, v1;
	_ =	sdelay $0x3  }
0x24: {  	[tilespmem:v4+s9+$0x0] =	vst.idx.msk $0xffff, v3  }
0x25: {  	v4 =	vor.u32 $0x2, v2;
	v3 =	vld.idx.msk [tilespmem:v5+s7+$0x0], $0xffff  }
0x26: {  	v5 =	vor.u32 $0x3, v1;
	_ =	sdelay $0x3  }
0x27: {  	[tilespmem:v4+s9+$0x0] =	vst.idx.msk $0xffff, v3  }
0x28: {  	v4 =	vor.u32 $0x3, v2;
	v3 =	vld.idx.msk [tilespmem:v5+s7+$0x0], $0xffff  }
0x29: {  	v1 =	vor.u32 $0x4, v1;
	_ =	sdelay $0x3  }
0x2a: {  	[tilespmem:v4+s9+$0x0] =	vst.idx.msk $0xffff, v3  }
0x2b: {  	v2 =	vor.u32 $0x4, v2;
	v1 =	vld.idx.msk [tilespmem:v1+s7+$0x0], $0xffff  }
0x2c: {  	s31 =	simm.s32 $0x10  }
0x2d: {  	v3 =	vmov s31  }
0x2e: {  	s12 =	simm.s32 $0x20;
	v3 =	vshll.u32 v3, $0x3  }
.LBB2_4:
0x2f: {  	p2 =	sne.s32 s12, $0x13F0  }
0x30: {  	v3 =	vor.u32 v0, v3;
	[tilespmem:v2+s9+$0x0] =	vst.idx.msk $0xffff, v1;
	s11 =	sadd.s32 $0x10, s11;
	s13 =	smov.u32 s12;
	s12 =	sadd.s32 $0x10, s12  }
0x31: {  	v1 =	vld [tilespmem:s11+$0x0];
	_ =	sdelay $0x3  }
0x32: {  	v2 =	vld.idx.msk [tilespmem:v3+s7+$0x0], $0xffff  }
0x33: {  	v4 =	vshll.u32 v1, $0x3  }
0x34: {  	v1 =	vor.u32 $0x1, v3;
	_ =	sdelay $0x3  }
0x35: {  	[tilespmem:v4+s9+$0x0] =	vst.idx.msk $0xffff, v2  }
0x36: {  	v1 =	vld.idx.msk [tilespmem:v1+s7+$0x0], $0xffff  }
0x37: {  	v2 =	vor.u32 $0x1, v4  }
0x38: {  	v5 =	vor.u32 $0x2, v3;
	_ =	sdelay $0x3  }
0x39: {  	[tilespmem:v2+s9+$0x0] =	vst.idx.msk $0xffff, v1  }
0x3a: {  	v1 =	vld.idx.msk [tilespmem:v5+s7+$0x0], $0xffff  }
0x3b: {  	v2 =	vor.u32 $0x2, v4  }
0x3c: {  	v5 =	vor.u32 $0x3, v3;
	_ =	sdelay $0x3  }
0x3d: {  	[tilespmem:v2+s9+$0x0] =	vst.idx.msk $0xffff, v1  }
0x3e: {  	v1 =	vld.idx.msk [tilespmem:v5+s7+$0x0], $0xffff  }
0x3f: {  	v2 =	vor.u32 $0x3, v4  }
0x40: {  	v3 =	vor.u32 $0x4, v3;
	_ =	sdelay $0x3  }
0x41: {  	[tilespmem:v2+s9+$0x0] =	vst.idx.msk $0xffff, v1  }
0x42: {  	v1 =	vld.idx.msk [tilespmem:v3+s7+$0x0], $0xffff  }
.Ltmp4:
0x43: {  	v2 =	vor.u32 $0x4, v4;
	(pc) =	sbr.rel @p2 .LBB2_4-.Ltmp4, $3  }
0x44: {  	_ =	sdelay $0x1  }
0x45: {  	v3 =	vmov s13  }
0x46: {  	v3 =	vshll.u32 v3, $0x3  }
0x47: {  	_ =	sdelay $0x3  }
0x48: {  	[tilespmem:v2+s9+$0x0] =	vst.idx.msk $0xffff, v1;
	s11 =	sadd.s32 $0x10, s11  }
0x49: {  	v1 =	vor.u32 v0, v3;
	v2 =	vld [tilespmem:s11+$0x0];
	_ =	sdelay $0x4  }
0x4a: {  	v3 =	vld.idx.msk [tilespmem:v1+s7+$0x0], $0xffff;
	v2 =	vshll.u32 v2, $0x3  }
0x4b: {  	v4 =	vor.u32 $0x1, v1;
	_ =	sdelay $0x3  }
0x4c: {  	[tilespmem:v2+s9+$0x0] =	vst.idx.msk $0xffff, v3  }
0x4d: {  	v60 =	vor.u32 $0x1, v2;
	v3 =	vld.idx.msk [tilespmem:v4+s7+$0x0], $0xffff  }
0x4e: {  	v5 =	vor.u32 $0x2, v1;
	_ =	sdelay $0x3  }
0x4f: {  	[tilespmem:v60+s9+$0x0] =	vst.idx.msk $0xffff, v3  }
0x50: {  	v61 =	vor.u32 $0x2, v2;
	v3 =	vld.idx.msk [tilespmem:v5+s7+$0x0], $0xffff  }
0x51: {  	v62 =	vor.u32 $0x3, v1;
	_ =	sdelay $0x3  }
0x52: {  	[tilespmem:v61+s9+$0x0] =	vst.idx.msk $0xffff, v3  }
0x53: {  	v63 =	vor.u32 $0x3, v2;
	v3 =	vld.idx.msk [tilespmem:v62+s7+$0x0], $0xffff  }
0x54: {  	v1 =	vor.u32 $0x4, v1;
	_ =	sdelay $0x3  }
0x55: {  	[tilespmem:v63+s9+$0x0] =	vst.idx.msk $0xffff, v3  }
0x56: {  	v2 =	vor.u32 $0x4, v2;
	v1 =	vld.idx.msk [tilespmem:v1+s7+$0x0], $0xffff;
	_ =	sdelay $0x1  }
.Ltmp5:
0x57: {  	_ = 	snop;
	(pc) =	sbr.rel .LBB2_9-.Ltmp5, $3  }
0x58: {  	_ =	sdelay $0x1  }
0x59: {  	[tilespmem:v2+s9+$0x0] =	vst.idx.msk $0xffff, v1  }
0x5a: {  	[hbm4b:s5+s7] =	stream.linear.scatter [tilespmem:s9], [sflag:$0x1], $0xA000, $0x38;
	[tilespmem:$0x15400] =	vst v63  }
.LBB2_6:
0x5b: {  	s12 =	simm.s32 $0x0  }
0x5c: {  	[tilespmem:s12], [sflag:$0x1] =	stream.linear.gather [hbm4b:s3+s12], $0xA000, $0x38;
	[tilespmem:$0x15400] =	vst v63  }
0x5d: {  	_ =	swait.ge [sflag:s8], $0xA000  }
0x5e: {  	[sflag:s8] =	ssyncset.done $0x0  }
0x5f: {  	s11 =	simm.s32 $0xA000;
	[sflag:s8] =	ssyncadd.s32 $0xFFFF6000  }
0x60: {  	v1 =	vmov s12;
	[tilespmem:s11], [sflag:$0x1] =	stream.linear.gather [hbm4b:s1+s12], $0x1400, $0x38;
	[tilespmem:$0x15400] =	vst v63  }
0x61: {  	v1 =	vshll.u32 v1, $0x3;
	_ =	swait.ge [sflag:s8], $0x1400  }
0x62: {  	v1 =	vor.u32 v0, v1;
	[sflag:s8] =	ssyncset.done $0x0  }
0x63: {  	[sflag:s8] =	ssyncadd.s32 $0xFFFFEC00  }
0x64: {  	v3 =	vld [tilespmem:s11+$0x0];
	_ =	sdelay $0x2  }
0x65: {  	v2 =	vld.idx.msk [tilespmem:v1+s7+$0x0], $0xffff  }
0x66: {  	v4 =	vor.u32 $0x1, v1;
	_ =	sdelay $0x3  }
0x67: {  	[tilespmem:v3+s9+$0x0] =	vst.idx.msk $0xffff, v2  }
0x68: {  	v2 =	vld.idx.msk [tilespmem:v4+s7+$0x0], $0xffff;
	v4 =	vadd.s32 $0x1400, v3  }
0x69: {  	v5 =	vor.u32 $0x2, v1;
	_ =	sdelay $0x3  }
0x6a: {  	[tilespmem:v4+s9+$0x0] =	vst.idx.msk $0xffff, v2  }
0x6b: {  	v4 =	vadd.s32 $0x2800, v3;
	v2 =	vld.idx.msk [tilespmem:v5+s7+$0x0], $0xffff  }
0x6c: {  	v1 =	vor.u32 $0x3, v1;
	_ =	sdelay $0x3  }
0x6d: {  	[tilespmem:v4+s9+$0x0] =	vst.idx.msk $0xffff, v2  }
0x6e: {  	s31 =	simm.s32 $0x10;
	v3 =	vadd.s32 $0x3C00, v3;
	v2 =	vld.idx.msk [tilespmem:v1+s7+$0x0], $0xffff  }
0x6f: {  	v5 =	vmov s31  }
0x70: {  	v4 =	vshll.u32 v5, $0x3  }
0x71: {  	s12 =	simm.s32 $0x20;
	v1 =	vor.u32 v0, v4  }
.LBB2_7:
0x72: {  	p2 =	sne.s32 s12, $0x13F0  }
0x73: {  	[tilespmem:v3+s9+$0x0] =	vst.idx.msk $0xffff, v2;
	s11 =	sadd.s32 $0x10, s11;
	s13 =	smov.u32 s12;
	s12 =	sadd.s32 $0x10, s12  }
0x74: {  	v3 =	vld [tilespmem:s11+$0x0];
	_ =	sdelay $0x1  }
0x75: {  	v2 =	vld.idx.msk [tilespmem:v1+s7+$0x0], $0xffff;
	_ =	sdelay $0x1  }
0x76: {  	v4 =	vor.u32 $0x1, v1;
	_ =	sdelay $0x3  }
0x77: {  	[tilespmem:v3+s9+$0x0] =	vst.idx.msk $0xffff, v2  }
0x78: {  	v2 =	vld.idx.msk [tilespmem:v4+s7+$0x0], $0xffff  }
0x79: {  	v4 =	vadd.s32 $0x1400, v3  }
0x7a: {  	v5 =	vor.u32 $0x2, v1;
	_ =	sdelay $0x3  }
0x7b: {  	[tilespmem:v4+s9+$0x0] =	vst.idx.msk $0xffff, v2  }
0x7c: {  	v2 =	vld.idx.msk [tilespmem:v5+s7+$0x0], $0xffff  }
0x7d: {  	v4 =	vadd.s32 $0x2800, v3  }
0x7e: {  	v1 =	vor.u32 $0x3, v1;
	_ =	sdelay $0x3  }
0x7f: {  	[tilespmem:v4+s9+$0x0] =	vst.idx.msk $0xffff, v2  }
.Ltmp6:
0x80: {  	v2 =	vld.idx.msk [tilespmem:v1+s7+$0x0], $0xffff;
	(pc) =	sbr.rel @p2 .LBB2_7-.Ltmp6, $4  }
0x81: {  	v3 =	vadd.s32 $0x3C00, v3  }
0x82: {  	v1 =	vmov s13  }
0x83: {  	v1 =	vshll.u32 v1, $0x3  }
0x84: {  	v1 =	vor.u32 v0, v1  }
0x85: {  	_ =	sdelay $0x3  }
0x86: {  	[tilespmem:v3+s9+$0x0] =	vst.idx.msk $0xffff, v2;
	s11 =	sadd.s32 $0x10, s11  }
0x87: {  	v2 =	vld [tilespmem:s11+$0x0];
	_ =	sdelay $0x2  }
0x88: {  	v3 =	vld.idx.msk [tilespmem:v1+s7+$0x0], $0xffff  }
0x89: {  	v4 =	vor.u32 $0x1, v1;
	_ =	sdelay $0x3  }
0x8a: {  	[tilespmem:v2+s9+$0x0] =	vst.idx.msk $0xffff, v3  }
0x8b: {  	v62 =	vadd.s32 $0x1400, v2;
	v3 =	vld.idx.msk [tilespmem:v4+s7+$0x0], $0xffff  }
0x8c: {  	v5 =	vor.u32 $0x2, v1;
	_ =	sdelay $0x3  }
0x8d: {  	[tilespmem:v62+s9+$0x0] =	vst.idx.msk $0xffff, v3  }
0x8e: {  	v63 =	vadd.s32 $0x2800, v2;
	v3 =	vld.idx.msk [tilespmem:v5+s7+$0x0], $0xffff  }
0x8f: {  	v1 =	vor.u32 $0x3, v1;
	_ =	sdelay $0x3  }
0x90: {  	[tilespmem:v63+s9+$0x0] =	vst.idx.msk $0xffff, v3  }
0x91: {  	v2 =	vadd.s32 $0x3C00, v2;
	v1 =	vld.idx.msk [tilespmem:v1+s7+$0x0], $0xffff;
	_ =	sdelay $0x1  }
.Ltmp7:
0x92: {  	_ = 	snop;
	(pc) =	sbr.rel .LBB2_9-.Ltmp7, $3  }
0x93: {  	_ =	sdelay $0x1  }
0x94: {  	[tilespmem:v2+s9+$0x0] =	vst.idx.msk $0xffff, v1  }
0x95: {  	[hbm4b:s4+s7] =	stream.linear.scatter [tilespmem:s9], [sflag:$0x1], $0xA000, $0x38;
	[tilespmem:$0x15400] =	vst v63  }
.LBB2_11:
0x96: {  	_ =	sfence.sel $0x180000  }
0x97: {  	[bflag:$0x0] =	sbarrier.arrive $0xFFFF  }
0x98: {  	p0 =	sne.s32 s2, $0x0;
	_ =	strace $0x90000047  }
0x99: {  	s0 =	sadd.s32 @!p0 $0x100000, s0;
	[bflag:$0x2] =	sbarrier.arrive $0xFFFF  }
0x9a: {  	[sflag:s0] =	ssyncadd.tile.s32 @!p0 $0x1;
	_ =	shalt  }
.Lfunc_end2:
_tile_overlayer_lowered:
.L_overlay_start_2:
0x9b: {  	(tag) =	ssettag $0x2  }
0x9c: {  	s0 =	rddreg [dreg:$0x0];
	s2 =	stileid.u32  }
0x9d: {  	s1 =	rddreg [dreg:$0x1];
	p0 =	sne.s32 s2, $0x0  }
0x9e: {  	s3 =	rddreg [dreg:$0x2];
	[bflag:$0x3] =	sbarrier.arrive $0xFFFF;
	s2 =	simm.s32 @!p0 $0x1C01  }
0x9f: {  	[timem:s3], [sflag:s2] =	dma.local @!p0 [hbm:s0], s1  }
0xa0: {  	s0 =	simm.s32 @!p0 $0x1  }
0xa1: {  	_ =	swait.ge @!p0 [sflag:s0], s1  }
0xa2: {  	s1 =	ssub.s32 @!p0 $0x0, s1;
	[sflag:s0] =	ssyncset.done @!p0 $0x0  }
0xa3: {  	[sflag:s0] =	ssyncadd.s32 @!p0 s1  }
0xa4: {  	[bflag:$0x3] =	sbarrier.arrive $0xFFFF  }
0xa5: {  	_ =	shalt  }

</sc_bundles>
